<compile_context>
chip_gen: v7x
topology: tpu7x:2x2x1
jax: 0.10.2.dev20260603
libtpu: 0.0.44.dev20260713+nightly
codegen_flags: <defaults>
</compile_context>

<pallas_src>
import functools

import jax
import jax.numpy as jnp
from jax import lax
from jax.experimental import pallas as pl
from jax.experimental.pallas import tpu as pltpu
from jax.experimental.pallas import tpu_sc as plsc

H = 512
W = 512
N = 128
S = 32
T = 256
INK_PP = 2.0
INK_MAX_DIST = 2.0

NC = 2
NS = 16
HW = H * W
SLICE = HW // NS
D_PER_C = N // NC
S_PER_T = S // NS
CHUNKS = T // 16


def _rsqrt(d2):
    bits = lax.bitcast_convert_type(d2, jnp.int32)
    y = lax.bitcast_convert_type(
        jnp.int32(0x5F3759DF) - lax.shift_right_logical(bits, 1), jnp.float32)
    for _ in range(3):
        y = y * (1.5 - 0.5 * d2 * y * y)
    return y


def _body(xs_hbm, ys_hbm, out_hbm, canvas, xbuf, ybuf, dbuf, idxb, valb, zbuf):
    c = lax.axis_index("c")
    s = lax.axis_index("s")
    slice_base = s * SLICE
    lane = lax.iota(jnp.int32, 16)

    def _zinit(i, _):
        zbuf[pl.ds(i * 16, 16)] = jnp.zeros((16,), jnp.float32)
        return 0
    lax.fori_loop(0, SLICE // 16, _zinit, 0)
    xbuf[pl.ds(T, 16)] = jnp.zeros((16,), jnp.float32)
    ybuf[pl.ds(T, 16)] = jnp.zeros((16,), jnp.float32)
    pltpu.sync_copy(zbuf, canvas.at[pl.ds(slice_base, SLICE)])

    def draw_body(k, _):
        d = c * D_PER_C + k
        for s2 in range(S_PER_T):
            st = s * S_PER_T + s2
            pltpu.sync_copy(xs_hbm.at[d, st], xbuf.at[pl.ds(0, T)])
            pltpu.sync_copy(ys_hbm.at[d, st], ybuf.at[pl.ds(0, T)])

            def pass1(ci, acc):
                b = ci * 16
                xa = xbuf[pl.ds(b, 16)]
                xn = xbuf[pl.ds(b + 1, 16)]
                ya = ybuf[pl.ds(b, 16)]
                yn = ybuf[pl.ds(b + 1, 16)]
                dx = xn - xa
                dy = yn - ya
                d2 = jnp.maximum(dx * dx + dy * dy, 1e-24)
                dist = jnp.minimum(d2 * _rsqrt(d2), INK_MAX_DIST)
                pad = jnp.logical_and(lane == 15, ci == CHUNKS - 1)
                dist = jnp.where(pad, 0.0, dist)
                dbuf[pl.ds(b + 1, 16)] = dist
                return acc + dist

            acc = lax.fori_loop(0, CHUNKS, pass1,
                                jnp.zeros((16,), jnp.float32))
            v0 = dbuf[pl.ds(0, 16)]
            d0 = dbuf[pl.ds(1, 16)][0]
            dbuf[pl.ds(0, 16)] = jnp.where(lane == 0, d0, v0)
            sumink = jnp.sum(acc) + d0

            sv = jnp.full((16,), sumink, jnp.float32)
            tiny = sv < 2.22e-06
            small = sv < INK_PP
            a = jnp.where(tiny, 0.0,
                          jnp.where(small,
                                    INK_PP / jnp.maximum(sv, 1e-20),
                                    INK_PP / INK_MAX_DIST))
            b0 = jnp.where(tiny, INK_PP / T, 0.0)

            def pass2(ci, _):
                b = ci * 16
                x = 0.0 - xbuf[pl.ds(b, 16)]
                y = ybuf[pl.ds(b, 16)]
                ink = a * dbuf[pl.ds(b, 16)] + b0
                ixf = x.astype(jnp.int32)
                iyf = y.astype(jnp.int32)
                fx = x - ixf.astype(jnp.float32)
                fy = y - iyf.astype(jnp.float32)
                gx = 1.0 - fx
                gy = 1.0 - fy
                base_i = ixf * W + iyf
                row = s2 * 8 + lax.div(ci, 2)
                col = lax.rem(ci, 2) * 64
                idxb[row, pl.ds(col, 16)] = base_i
                valb[row, pl.ds(col, 16)] = ink * gx * gy
                idxb[row, pl.ds(col + 16, 16)] = base_i + W
                valb[row, pl.ds(col + 16, 16)] = ink * fx * gy
                idxb[row, pl.ds(col + 32, 16)] = base_i + 1
                valb[row, pl.ds(col + 32, 16)] = ink * gx * fy
                idxb[row, pl.ds(col + 48, 16)] = base_i + W + 1
                valb[row, pl.ds(col + 48, 16)] = ink * fx * fy
                return 0

            lax.fori_loop(0, CHUNKS, pass2, 0)

        plsc.subcore_barrier()
        for j in range(16):
            pltpu.sync_copy(valb.at[j], canvas.at[idxb.at[j]], add=True)
        plsc.subcore_barrier()
        pltpu.sync_copy(canvas.at[pl.ds(slice_base, SLICE)],
                        out_hbm.at[d, pl.ds(slice_base, SLICE)])
        pltpu.sync_copy(zbuf, canvas.at[pl.ds(slice_base, SLICE)])
        return 0

    lax.fori_loop(0, D_PER_C, draw_body, 0)


@jax.jit
def kernel(drawings):
    xs = drawings[..., 1]
    ys = drawings[..., 0]
    mesh = plsc.VectorSubcoreMesh(core_axis_name="c", subcore_axis_name="s",
                                  num_cores=NC, num_subcores=NS)
    paint = pl.kernel(
        _body,
        out_type=jax.ShapeDtypeStruct((N, HW), jnp.float32),
        mesh=mesh,
        compiler_params=pltpu.CompilerParams(needs_layout_passes=False),
        scratch_types=[
            pltpu.VMEM_SHARED((HW,), jnp.float32),
            pltpu.VMEM((T + 16,), jnp.float32),
            pltpu.VMEM((T + 16,), jnp.float32),
            pltpu.VMEM((T + 16,), jnp.float32),
            pltpu.VMEM((16, 128), jnp.int32),
            pltpu.VMEM((16, 128), jnp.float32),
            pltpu.VMEM((SLICE,), jnp.float32),
        ],
    )
    return paint(xs, ys).reshape(N, H, W)

# --- scband reference (transcript-rebuilt; emitter-appended) ---
"""Pipeline reference for scband-painter-88991722373489 (READ-ONLY COPY).

The authoritative reference and input builder live on the scoring server;
editing this copy changes nothing except your own understanding.
"""

import jax, jax.numpy as jnp
import numpy as np

H, W = 512, 512
N, S, T = 128, 32, 256
INK_PP = 2.0
INK_MAX_DIST = 2.0


def setup_inputs(seed: int = 0) -> dict:
    key = jax.random.key(seed)
    # Motor-space coordinates. After space_motor_to_img (flip last dim, then * [-1, 1]):
    #   x_img = -drawings[..., 1], y_img = drawings[..., 0]
    # Generate col0 in [0.5, min(H,W)-1.5] and col1 = -(uniform in same range) so every
    # point lands strictly in-bounds (matches the torch module's happy path where
    # check_bounds filters nothing).
    u = jax.random.uniform(key, (N, S, T, 2), minval=0.5, maxval=float(min(H, W)) - 1.5, dtype=jnp.float32)
    drawings = u * jnp.array([1.0, -1.0], dtype=jnp.float32)
    return {"drawings": drawings}


def _render(drawings):
    # Vectorized, faithful translation of Painter.forward: for each drawing, each stroke
    # is mapped to image space, ink mass is distributed along the stroke proportional to
    # clamped inter-point distance, then bilinearly scatter-added into the canvas.
    # Scatter-add is order-independent, so all strokes of all drawings are rendered in
    # one big scatter into a flattened [N*H*W] buffer (equivalent to torch's seqadd loop).
    n, s, t, _ = drawings.shape
    stk = jnp.flip(drawings, axis=-1) * jnp.array([-1.0, 1.0], dtype=drawings.dtype)
    x = stk[..., 0]  # [N,S,T]
    y = stk[..., 1]
    # check_bounds (all-false for setup_inputs data; kept for faithfulness, implemented
    # as a mask instead of torch's point filtering -- identical when nothing is filtered)
    x_out = (jnp.floor(x) < 0) | (jnp.ceil(x) >= H)
    y_out = (jnp.floor(y) < 0) | (jnp.ceil(y) >= W)
    valid = jnp.logical_not(x_out | y_out).astype(drawings.dtype)
    # ink per point: proportional to clamped distance to previous point
    diff = stk[..., 1:, :] - stk[..., :-1, :]
    dist = jnp.linalg.norm(diff, axis=-1)  # [N,S,T-1]
    dist = jnp.minimum(dist, INK_MAX_DIST)
    dist = jnp.concatenate([dist[..., :1], dist], axis=-1)  # [N,S,T]
    myink = (INK_PP / INK_MAX_DIST) * dist
    sumink = jnp.sum(myink, axis=-1, keepdims=True)  # [N,S,1]
    uniform_ink = (INK_PP / t) * jnp.ones_like(myink)
    scaled_ink = (INK_PP / jnp.maximum(sumink, 1e-20)) * myink
    myink = jnp.where(sumink < 2.22e-06, uniform_ink, jnp.where(sumink < INK_PP, scaled_ink, myink))
    myink = myink * valid
    # bilinear splat (floors/ceils detached as in torch)
    xf = jax.lax.stop_gradient(jnp.floor(x))
    yf = jax.lax.stop_gradient(jnp.floor(y))
    xc = jax.lax.stop_gradient(jnp.ceil(x))
    yc = jax.lax.stop_gradient(jnp.ceil(y))
    x_c_ratio = x - xf
    y_c_ratio = y - yf
    x_f_ratio = 1.0 - x_c_ratio
    y_f_ratio = 1.0 - y_c_ratio
    lind_x = jnp.concatenate([xf, xc, xf, xc], axis=-1)  # [N,S,4T]
    lind_y = jnp.concatenate([yf, yf, yc, yc], axis=-1)
    inkval = jnp.concatenate([
        myink * x_f_ratio * y_f_ratio,
        myink * x_c_ratio * y_f_ratio,
        myink * x_f_ratio * y_c_ratio,
        myink * x_c_ratio * y_c_ratio,
    ], axis=-1)  # [N,S,4T]
    ix = jnp.clip(lind_x.astype(jnp.int32), 0, H - 1)
    iy = jnp.clip(lind_y.astype(jnp.int32), 0, W - 1)
    lind = ix * W + iy  # index_mat[ix, iy]
    offs = (jnp.arange(n, dtype=jnp.int32) * (H * W))[:, None, None]
    flat_idx = (lind + offs).reshape(-1)
    flat_val = inkval.reshape(-1)
    canvas = jnp.zeros((n * H * W,), dtype=drawings.dtype).at[flat_idx].add(flat_val)
    return canvas.reshape(n, H, W)


def reference(drawings):
    return _render(drawings)

if __name__ == "__main__":
    import jax
    _d = setup_inputs()
    print(jax.jit(kernel)(*tuple(_d.values())))

</pallas_src>

<mosaic_0001>
#map = affine_map<(d0, d1) -> (0, 0, 0)>
#map1 = affine_map<(d0, d1) -> (0, 0)>
module attributes {stable_mosaic.version = 14 : i64} {
  func.func @_body(%arg0: i32, %arg1: i32, %arg2: memref<128x32x256xf32, #tpu.memory_space<hbm>>, %arg3: memref<128x32x256xf32, #tpu.memory_space<hbm>>, %arg4: memref<128x262144xf32, #tpu.memory_space<hbm>>, %arg5: memref<262144xf32, #tpu.memory_space<vmem_shared>>, %arg6: memref<272xf32, #tpu.memory_space<vmem>>, %arg7: memref<272xf32, #tpu.memory_space<vmem>>, %arg8: memref<272xf32, #tpu.memory_space<vmem>>, %arg9: memref<16x128xi32, #tpu.memory_space<vmem>>, %arg10: memref<16x128xf32, #tpu.memory_space<vmem>>, %arg11: memref<16384xf32, #tpu.memory_space<vmem>>) attributes {dimension_semantics = [#tpu.dimension_semantics<core_parallel>, #tpu.dimension_semantics<subcore_parallel>], iteration_bounds = array<i64: 2, 16>, scalar_prefetch = 0 : i64, scratch_operands = 7 : i64, tpu.core_type = #tpu.core_type<sc_vector_subcore>, window_params = [{transform_indices = #map}, {transform_indices = #map}, {transform_indices = #map1}]} {
    %mul3A = arith.constant 16384 : i32
    %mul3A_0 = arith.muli %arg1, %mul3A : i32
    %iota3A = tpu.iota {dimensions = array<i32: 0>} : vector<16xi32>
    %scan3A = arith.constant 0 : i32
    %scan3A_1 = arith.constant 0 : i32
    %scan3A_2 = arith.constant 1024 : i32
    %scan3A_3 = arith.addi %scan3A_1, %scan3A_2 : i32
    %scan3A_4 = arith.constant 1 : i32
    %scan3A_5 = scf.for %scan3A_20 = %scan3A_1 to %scan3A_3 step %scan3A_4 iter_args(%scan3A_21 = %scan3A) -> (i32)  : i32 {
      %broadcast_in_dim3A_22 = arith.constant 0.000000e+00 : f32
      %broadcast_in_dim3A_23 = vector.broadcast %broadcast_in_dim3A_22 : f32 to vector<16xf32>
      %mul3A_24 = arith.constant 16 : i32
      %mul3A_25 = arith.muli %scan3A_20, %mul3A_24 : i32
      %swap3A_26 = arith.index_cast %mul3A_25 : i32 to index
      %swap3A_27 = tpu.vector_load %arg11[%swap3A_26] {strides = array<i32>} : memref<16384xf32, #tpu.memory_space<vmem>>, vector<16xf32>,
      tpu.vector_store %arg11[%swap3A_26], %broadcast_in_dim3A_23 {strides = array<i32>} : memref<16384xf32, #tpu.memory_space<vmem>>, vector<16xf32>,
      %scan3A_28 = arith.constant 0 : i32
      scf.yield %scan3A_28 : i32
    }
    %scan3A_6 = arith.constant 1024 : i32
    %broadcast_in_dim3A = arith.constant 0.000000e+00 : f32
    %broadcast_in_dim3A_7 = vector.broadcast %broadcast_in_dim3A : f32 to vector<16xf32>
    %swap3A = arith.constant 256 : index
    %swap3A_8 = tpu.vector_load %arg6[%swap3A] {strides = array<i32>} : memref<272xf32, #tpu.memory_space<vmem>>, vector<16xf32>,
    tpu.vector_store %arg6[%swap3A], %broadcast_in_dim3A_7 {strides = array<i32>} : memref<272xf32, #tpu.memory_space<vmem>>, vector<16xf32>,
    %broadcast_in_dim3A_9 = arith.constant 0.000000e+00 : f32
    %broadcast_in_dim3A_10 = vector.broadcast %broadcast_in_dim3A_9 : f32 to vector<16xf32>
    %swap3A_11 = arith.constant 256 : index
    %swap3A_12 = tpu.vector_load %arg7[%swap3A_11] {strides = array<i32>} : memref<272xf32, #tpu.memory_space<vmem>>, vector<16xf32>,
    tpu.vector_store %arg7[%swap3A_11], %broadcast_in_dim3A_10 {strides = array<i32>} : memref<272xf32, #tpu.memory_space<vmem>>, vector<16xf32>,
    "tpu.region"() ({
      %run_scoped3A = tpu.sem_alloc : memref<!tpu.dma_semaphore, #tpu.memory_space<semaphore_mem>>
      %dma_start3A = tpu.memref_slice %arg5[%mul3A_0] : memref<262144xf32, #tpu.memory_space<vmem_shared>> -> memref<16384xf32, #tpu.memory_space<vmem_shared>>
      %dma_start3A_20 = tpu.memref_slice %arg5[%mul3A_0] : memref<262144xf32, #tpu.memory_space<vmem_shared>> -> memref<16384xf32, #tpu.memory_space<vmem_shared>>
      tpu.enqueue_dma source(%arg11 : memref<16384xf32, #tpu.memory_space<vmem>>) target(%dma_start3A_20 : memref<16384xf32, #tpu.memory_space<vmem_shared>>) target_semaphore(%run_scoped3A : memref<!tpu.dma_semaphore, #tpu.memory_space<semaphore_mem>>)
      %dma_wait3A = tpu.memref_slice %arg5[%mul3A_0] : memref<262144xf32, #tpu.memory_space<vmem_shared>> -> memref<16384xf32, #tpu.memory_space<vmem_shared>>
      %dma_wait3A_21 = tpu.memref_slice %arg5[%mul3A_0] : memref<262144xf32, #tpu.memory_space<vmem_shared>> -> memref<16384xf32, #tpu.memory_space<vmem_shared>>
      tpu.wait_dma2 semaphore(%run_scoped3A : memref<!tpu.dma_semaphore, #tpu.memory_space<semaphore_mem>>) src(%arg11 : memref<16384xf32, #tpu.memory_space<vmem>>) dst(%dma_wait3A_21 : memref<16384xf32, #tpu.memory_space<vmem_shared>>)
      tpu.yield
    }) : () -> ()
    %scan3A_13 = arith.constant 0 : i32
    %scan3A_14 = arith.constant 0 : i32
    %scan3A_15 = arith.constant 64 : i32
    %scan3A_16 = arith.addi %scan3A_14, %scan3A_15 : i32
    %scan3A_17 = arith.constant 1 : i32
    %scan3A_18 = scf.for %scan3A_20 = %scan3A_14 to %scan3A_16 step %scan3A_17 iter_args(%scan3A_21 = %scan3A_13) -> (i32)  : i32 {
      %mul3A_22 = arith.constant 64 : i32
      %mul3A_23 = arith.muli %arg0, %mul3A_22 : i32
      %add3A = arith.addi %mul3A_23, %scan3A_20 : i32
      %mul3A_24 = arith.constant 2 : i32
      %mul3A_25 = arith.muli %arg1, %mul3A_24 : i32
      %add3A_26 = arith.constant 0 : i32
      %add3A_27 = arith.addi %mul3A_25, %add3A_26 : i32
      "tpu.region"() ({
        %run_scoped3A_169 = tpu.sem_alloc : memref<!tpu.dma_semaphore, #tpu.memory_space<semaphore_mem>>
        %dma_start3A = arith.constant 0 : i32
        %dma_start3A_170 = tpu.memref_slice %arg6[%dma_start3A] : memref<272xf32, #tpu.memory_space<vmem>> -> memref<256xf32, #tpu.memory_space<vmem>>
        %dma_start3A_171 = arith.constant 0 : i32
        %dma_start3A_172 = tpu.memref_slice %arg2[%add3A, %add3A_27, %dma_start3A_171] : memref<128x32x256xf32, #tpu.memory_space<hbm>> -> memref<1x1x256xf32, #tpu.memory_space<hbm>>
        %dma_start3A_173 = tpu.memref_squeeze %dma_start3A_172 : memref<1x1x256xf32, #tpu.memory_space<hbm>> -> memref<256xf32, #tpu.memory_space<hbm>>
        %dma_start3A_174 = arith.constant 0 : i32
        %dma_start3A_175 = tpu.memref_slice %arg6[%dma_start3A_174] : memref<272xf32, #tpu.memory_space<vmem>> -> memref<256xf32, #tpu.memory_space<vmem>>
        %dma_start3A_176 = arith.constant 0 : i32
        %dma_start3A_177 = tpu.memref_slice %arg2[%add3A, %add3A_27, %dma_start3A_176] : memref<128x32x256xf32, #tpu.memory_space<hbm>> -> memref<1x1x256xf32, #tpu.memory_space<hbm>>
        %dma_start3A_178 = tpu.memref_squeeze %dma_start3A_177 : memref<1x1x256xf32, #tpu.memory_space<hbm>> -> memref<256xf32, #tpu.memory_space<hbm>>
        tpu.enqueue_dma source(%dma_start3A_178 : memref<256xf32, #tpu.memory_space<hbm>>) target(%dma_start3A_175 : memref<256xf32, #tpu.memory_space<vmem>>) target_semaphore(%run_scoped3A_169 : memref<!tpu.dma_semaphore, #tpu.memory_space<semaphore_mem>>)
        %dma_wait3A = arith.constant 0 : i32
        %dma_wait3A_179 = tpu.memref_slice %arg6[%dma_wait3A] : memref<272xf32, #tpu.memory_space<vmem>> -> memref<256xf32, #tpu.memory_space<vmem>>
        %dma_wait3A_180 = arith.constant 0 : i32
        %dma_wait3A_181 = tpu.memref_slice %arg2[%add3A, %add3A_27, %dma_wait3A_180] : memref<128x32x256xf32, #tpu.memory_space<hbm>> -> memref<1x1x256xf32, #tpu.memory_space<hbm>>
        %dma_wait3A_182 = tpu.memref_squeeze %dma_wait3A_181 : memref<1x1x256xf32, #tpu.memory_space<hbm>> -> memref<256xf32, #tpu.memory_space<hbm>>
        %dma_wait3A_183 = arith.constant 0 : i32
        %dma_wait3A_184 = tpu.memref_slice %arg6[%dma_wait3A_183] : memref<272xf32, #tpu.memory_space<vmem>> -> memref<256xf32, #tpu.memory_space<vmem>>
        %dma_wait3A_185 = arith.constant 0 : i32
        %dma_wait3A_186 = tpu.memref_slice %arg2[%add3A, %add3A_27, %dma_wait3A_185] : memref<128x32x256xf32, #tpu.memory_space<hbm>> -> memref<1x1x256xf32, #tpu.memory_space<hbm>>
        %dma_wait3A_187 = tpu.memref_squeeze %dma_wait3A_186 : memref<1x1x256xf32, #tpu.memory_space<hbm>> -> memref<256xf32, #tpu.memory_space<hbm>>
        tpu.wait_dma2 semaphore(%run_scoped3A_169 : memref<!tpu.dma_semaphore, #tpu.memory_space<semaphore_mem>>) src(%dma_wait3A_187 : memref<256xf32, #tpu.memory_space<hbm>>) dst(%dma_wait3A_184 : memref<256xf32, #tpu.memory_space<vmem>>)
        tpu.yield
      }) : () -> ()
      "tpu.region"() ({
        %run_scoped3A_169 = tpu.sem_alloc : memref<!tpu.dma_semaphore, #tpu.memory_space<semaphore_mem>>
        %dma_start3A = arith.constant 0 : i32
        %dma_start3A_170 = tpu.memref_slice %arg7[%dma_start3A] : memref<272xf32, #tpu.memory_space<vmem>> -> memref<256xf32, #tpu.memory_space<vmem>>
        %dma_start3A_171 = arith.constant 0 : i32
        %dma_start3A_172 = tpu.memref_slice %arg3[%add3A, %add3A_27, %dma_start3A_171] : memref<128x32x256xf32, #tpu.memory_space<hbm>> -> memref<1x1x256xf32, #tpu.memory_space<hbm>>
        %dma_start3A_173 = tpu.memref_squeeze %dma_start3A_172 : memref<1x1x256xf32, #tpu.memory_space<hbm>> -> memref<256xf32, #tpu.memory_space<hbm>>
        %dma_start3A_174 = arith.constant 0 : i32
        %dma_start3A_175 = tpu.memref_slice %arg7[%dma_start3A_174] : memref<272xf32, #tpu.memory_space<vmem>> -> memref<256xf32, #tpu.memory_space<vmem>>
        %dma_start3A_176 = arith.constant 0 : i32
        %dma_start3A_177 = tpu.memref_slice %arg3[%add3A, %add3A_27, %dma_start3A_176] : memref<128x32x256xf32, #tpu.memory_space<hbm>> -> memref<1x1x256xf32, #tpu.memory_space<hbm>>
        %dma_start3A_178 = tpu.memref_squeeze %dma_start3A_177 : memref<1x1x256xf32, #tpu.memory_space<hbm>> -> memref<256xf32, #tpu.memory_space<hbm>>
        tpu.enqueue_dma source(%dma_start3A_178 : memref<256xf32, #tpu.memory_space<hbm>>) target(%dma_start3A_175 : memref<256xf32, #tpu.memory_space<vmem>>) target_semaphore(%run_scoped3A_169 : memref<!tpu.dma_semaphore, #tpu.memory_space<semaphore_mem>>)
        %dma_wait3A = arith.constant 0 : i32
        %dma_wait3A_179 = tpu.memref_slice %arg7[%dma_wait3A] : memref<272xf32, #tpu.memory_space<vmem>> -> memref<256xf32, #tpu.memory_space<vmem>>
        %dma_wait3A_180 = arith.constant 0 : i32
        %dma_wait3A_181 = tpu.memref_slice %arg3[%add3A, %add3A_27, %dma_wait3A_180] : memref<128x32x256xf32, #tpu.memory_space<hbm>> -> memref<1x1x256xf32, #tpu.memory_space<hbm>>
        %dma_wait3A_182 = tpu.memref_squeeze %dma_wait3A_181 : memref<1x1x256xf32, #tpu.memory_space<hbm>> -> memref<256xf32, #tpu.memory_space<hbm>>
        %dma_wait3A_183 = arith.constant 0 : i32
        %dma_wait3A_184 = tpu.memref_slice %arg7[%dma_wait3A_183] : memref<272xf32, #tpu.memory_space<vmem>> -> memref<256xf32, #tpu.memory_space<vmem>>
        %dma_wait3A_185 = arith.constant 0 : i32
        %dma_wait3A_186 = tpu.memref_slice %arg3[%add3A, %add3A_27, %dma_wait3A_185] : memref<128x32x256xf32, #tpu.memory_space<hbm>> -> memref<1x1x256xf32, #tpu.memory_space<hbm>>
        %dma_wait3A_187 = tpu.memref_squeeze %dma_wait3A_186 : memref<1x1x256xf32, #tpu.memory_space<hbm>> -> memref<256xf32, #tpu.memory_space<hbm>>
        tpu.wait_dma2 semaphore(%run_scoped3A_169 : memref<!tpu.dma_semaphore, #tpu.memory_space<semaphore_mem>>) src(%dma_wait3A_187 : memref<256xf32, #tpu.memory_space<hbm>>) dst(%dma_wait3A_184 : memref<256xf32, #tpu.memory_space<vmem>>)
        tpu.yield
      }) : () -> ()
      %broadcast_in_dim3A_28 = arith.constant 0.000000e+00 : f32
      %broadcast_in_dim3A_29 = vector.broadcast %broadcast_in_dim3A_28 : f32 to vector<16xf32>
      %scan3A_30 = arith.constant 0 : i32
      %scan3A_31 = arith.constant 16 : i32
      %scan3A_32 = arith.addi %scan3A_30, %scan3A_31 : i32
      %scan3A_33 = arith.constant 1 : i32
      %scan3A_34 = scf.for %scan3A_169 = %scan3A_30 to %scan3A_32 step %scan3A_33 iter_args(%scan3A_170 = %broadcast_in_dim3A_29) -> (vector<16xf32>)  : i32 {
        %mul3A_171 = arith.constant 16 : i32
        %mul3A_172 = arith.muli %scan3A_169, %mul3A_171 : i32
        %get3A_173 = arith.index_cast %mul3A_172 : i32 to index
        %get3A_174 = tpu.vector_load %arg6[%get3A_173] {strides = array<i32>} : memref<272xf32, #tpu.memory_space<vmem>>, vector<16xf32>,
        %add3A_175 = arith.constant 1 : i32
        %add3A_176 = arith.addi %mul3A_172, %add3A_175 : i32
        %get3A_177 = arith.index_cast %add3A_176 : i32 to index
        %get3A_178 = tpu.vector_load %arg6[%get3A_177] {strides = array<i32>} : memref<272xf32, #tpu.memory_space<vmem>>, vector<16xf32>,
        %get3A_179 = arith.index_cast %mul3A_172 : i32 to index
        %get3A_180 = tpu.vector_load %arg7[%get3A_179] {strides = array<i32>} : memref<272xf32, #tpu.memory_space<vmem>>, vector<16xf32>,
        %add3A_181 = arith.constant 1 : i32
        %add3A_182 = arith.addi %mul3A_172, %add3A_181 : i32
        %get3A_183 = arith.index_cast %add3A_182 : i32 to index
        %get3A_184 = tpu.vector_load %arg7[%get3A_183] {strides = array<i32>} : memref<272xf32, #tpu.memory_space<vmem>>, vector<16xf32>,
        %sub3A = arith.subf %get3A_178, %get3A_174 : vector<16xf32>
        %sub3A_185 = arith.subf %get3A_184, %get3A_180 : vector<16xf32>
        %mul3A_186 = arith.mulf %sub3A, %sub3A : vector<16xf32>
        %mul3A_187 = arith.mulf %sub3A_185, %sub3A_185 : vector<16xf32>
        %add3A_188 = arith.addf %mul3A_186, %mul3A_187 : vector<16xf32>
        %max3A_189 = arith.constant 1.000000e-24 : f32
        %max3A_190 = vector.broadcast %max3A_189 : f32 to vector<16xf32>
        %max3A_191 = arith.maximumf %add3A_188, %max3A_190 : vector<16xf32>
        %bitcast_convert_type3A = tpu.bitcast %max3A_191 : vector<16xf32> -> vector<16xi32>
        %shift_right_logical3A = arith.constant 1 : i32
        %shift_right_logical3A_192 = vector.broadcast %shift_right_logical3A : i32 to vector<16xi32>
        %shift_right_logical3A_193 = arith.shrui %bitcast_convert_type3A, %shift_right_logical3A_192 : vector<16xi32>
        %sub3A_194 = arith.constant 1597463007 : i32
        %sub3A_195 = vector.broadcast %sub3A_194 : i32 to vector<16xi32>
        %sub3A_196 = arith.subi %sub3A_195, %shift_right_logical3A_193 : vector<16xi32>
        %bitcast_convert_type3A_197 = tpu.bitcast %sub3A_196 : vector<16xi32> -> vector<16xf32>
        %mul3A_198 = arith.constant 5.000000e-01 : f32
        %mul3A_199 = vector.broadcast %mul3A_198 : f32 to vector<16xf32>
        %mul3A_200 = arith.mulf %mul3A_199, %max3A_191 : vector<16xf32>
        %mul3A_201 = arith.mulf %mul3A_200, %bitcast_convert_type3A_197 : vector<16xf32>
        %mul3A_202 = arith.mulf %mul3A_201, %bitcast_convert_type3A_197 : vector<16xf32>
        %sub3A_203 = arith.constant 1.500000e+00 : f32
        %sub3A_204 = vector.broadcast %sub3A_203 : f32 to vector<16xf32>
        %sub3A_205 = arith.subf %sub3A_204, %mul3A_202 : vector<16xf32>
        %mul3A_206 = arith.mulf %bitcast_convert_type3A_197, %sub3A_205 : vector<16xf32>
        %mul3A_207 = arith.constant 5.000000e-01 : f32
        %mul3A_208 = vector.broadcast %mul3A_207 : f32 to vector<16xf32>
        %mul3A_209 = arith.mulf %mul3A_208, %max3A_191 : vector<16xf32>
        %mul3A_210 = arith.mulf %mul3A_209, %mul3A_206 : vector<16xf32>
        %mul3A_211 = arith.mulf %mul3A_210, %mul3A_206 : vector<16xf32>
        %sub3A_212 = arith.constant 1.500000e+00 : f32
        %sub3A_213 = vector.broadcast %sub3A_212 : f32 to vector<16xf32>
        %sub3A_214 = arith.subf %sub3A_213, %mul3A_211 : vector<16xf32>
        %mul3A_215 = arith.mulf %mul3A_206, %sub3A_214 : vector<16xf32>
        %mul3A_216 = arith.constant 5.000000e-01 : f32
        %mul3A_217 = vector.broadcast %mul3A_216 : f32 to vector<16xf32>
        %mul3A_218 = arith.mulf %mul3A_217, %max3A_191 : vector<16xf32>
        %mul3A_219 = arith.mulf %mul3A_218, %mul3A_215 : vector<16xf32>
        %mul3A_220 = arith.mulf %mul3A_219, %mul3A_215 : vector<16xf32>
        %sub3A_221 = arith.constant 1.500000e+00 : f32
        %sub3A_222 = vector.broadcast %sub3A_221 : f32 to vector<16xf32>
        %sub3A_223 = arith.subf %sub3A_222, %mul3A_220 : vector<16xf32>
        %mul3A_224 = arith.mulf %mul3A_215, %sub3A_223 : vector<16xf32>
        %mul3A_225 = arith.mulf %max3A_191, %mul3A_224 : vector<16xf32>
        %min3A = arith.constant 2.000000e+00 : f32
        %min3A_226 = vector.broadcast %min3A : f32 to vector<16xf32>
        %min3A_227 = arith.minimumf %mul3A_225, %min3A_226 : vector<16xf32>
        %eq3A_228 = arith.constant 15 : i32
        %eq3A_229 = vector.broadcast %eq3A_228 : i32 to vector<16xi32>
        %eq3A_230 = arith.cmpi eq, %iota3A, %eq3A_229 : vector<16xi32>
        %eq3A_231 = arith.constant 15 : i32
        %eq3A_232 = arith.cmpi eq, %scan3A_169, %eq3A_231 : i32
        %and3A = vector.broadcast %eq3A_232 : i1 to vector<16xi1>
        %and3A_233 = arith.andi %eq3A_230, %and3A : vector<16xi1>
        %jit3A_234 = arith.constant 0.000000e+00 : f32
        %broadcast_in_dim3A_235 = vector.broadcast %jit3A_234 : f32 to vector<16xf32>
        %select_n3A_236 = arith.select %and3A_233, %broadcast_in_dim3A_235, %min3A_227 : vector<16xi1>, vector<16xf32>
        %add3A_237 = arith.constant 1 : i32
        %add3A_238 = arith.addi %mul3A_172, %add3A_237 : i32
        %swap3A_239 = arith.index_cast %add3A_238 : i32 to index
        %swap3A_240 = tpu.vector_load %arg8[%swap3A_239] {strides = array<i32>} : memref<272xf32, #tpu.memory_space<vmem>>, vector<16xf32>,
        tpu.vector_store %arg8[%swap3A_239], %select_n3A_236 {strides = array<i32>} : memref<272xf32, #tpu.memory_space<vmem>>, vector<16xf32>,
        %add3A_241 = arith.addf %scan3A_170, %select_n3A_236 : vector<16xf32>
        scf.yield %add3A_241 : vector<16xf32>
      }
      %scan3A_35 = arith.constant 16 : i32
      %get3A = arith.constant 0 : index
      %get3A_36 = tpu.vector_load %arg8[%get3A] {strides = array<i32>} : memref<272xf32, #tpu.memory_space<vmem>>, vector<16xf32>,
      %get3A_37 = arith.constant 1 : index
      %get3A_38 = tpu.vector_load %arg8[%get3A_37] {strides = array<i32>} : memref<272xf32, #tpu.memory_space<vmem>>, vector<16xf32>,
      %slice3A = vector.extract_strided_slice %get3A_38 {offsets = [0], sizes = [1], strides = [1]} : vector<16xf32> to vector<1xf32>
      %squeeze3A = vector.extract %slice3A[0] : f32 from vector<1xf32>
      %eq3A = arith.constant 0 : i32
      %eq3A_39 = vector.broadcast %eq3A : i32 to vector<16xi32>
      %eq3A_40 = arith.cmpi eq, %iota3A, %eq3A_39 : vector<16xi32>
      %broadcast_in_dim3A_41 = vector.broadcast %squeeze3A : f32 to vector<16xf32>
      %select_n3A = arith.select %eq3A_40, %broadcast_in_dim3A_41, %get3A_36 : vector<16xi1>, vector<16xf32>
      %swap3A_42 = arith.constant 0 : index
      %swap3A_43 = tpu.vector_load %arg8[%swap3A_42] {strides = array<i32>} : memref<272xf32, #tpu.memory_space<vmem>>, vector<16xf32>,
      tpu.vector_store %arg8[%swap3A_42], %select_n3A {strides = array<i32>} : memref<272xf32, #tpu.memory_space<vmem>>, vector<16xf32>,
      %reduce_sum3A = arith.constant true
      %reduce_sum3A_44 = vector.broadcast %reduce_sum3A : i1 to vector<16xi1>
      %reduce_sum3A_45 = tpu.scan <sum>, %scan3A_34 masked %reduce_sum3A_44 : vector<16xf32>, vector<16xi1> -> vector<16xf32>
      %reduce_sum3A_46 = vector.extract %reduce_sum3A_45[15] : f32 from vector<16xf32>
      %add3A_47 = arith.addf %reduce_sum3A_46, %squeeze3A : f32
      %broadcast_in_dim3A_48 = vector.broadcast %add3A_47 : f32 to vector<16xf32>
      %lt3A = arith.constant 2.220000e-06 : f32
      %lt3A_49 = vector.broadcast %lt3A : f32 to vector<16xf32>
      %lt3A_50 = arith.cmpf olt, %broadcast_in_dim3A_48, %lt3A_49 : vector<16xf32>
      %lt3A_51 = arith.constant 2.000000e+00 : f32
      %lt3A_52 = vector.broadcast %lt3A_51 : f32 to vector<16xf32>
      %lt3A_53 = arith.cmpf olt, %broadcast_in_dim3A_48, %lt3A_52 : vector<16xf32>
      %max3A = arith.constant 9.99999968E-21 : f32
      %max3A_54 = vector.broadcast %max3A : f32 to vector<16xf32>
      %max3A_55 = arith.maximumf %broadcast_in_dim3A_48, %max3A_54 : vector<16xf32>
      %div3A = arith.constant 2.000000e+00 : f32
      %div3A_56 = vector.broadcast %div3A : f32 to vector<16xf32>
      %div3A_57 = arith.divf %div3A_56, %max3A_55 : vector<16xf32>
      %jit3A = arith.constant 1.000000e+00 : f32
      %broadcast_in_dim3A_58 = vector.broadcast %jit3A : f32 to vector<16xf32>
      %select_n3A_59 = arith.select %lt3A_53, %div3A_57, %broadcast_in_dim3A_58 : vector<16xi1>, vector<16xf32>
      %jit3A_60 = arith.constant 0.000000e+00 : f32
      %broadcast_in_dim3A_61 = vector.broadcast %jit3A_60 : f32 to vector<16xf32>
      %select_n3A_62 = arith.select %lt3A_50, %broadcast_in_dim3A_61, %select_n3A_59 : vector<16xi1>, vector<16xf32>
      %jit3A_63 = arith.constant 7.812500e-03 : f32
      %jit3A_64 = arith.constant 0.000000e+00 : f32
      %broadcast_in_dim3A_65 = vector.broadcast %jit3A_63 : f32 to vector<16xf32>
      %broadcast_in_dim3A_66 = vector.broadcast %jit3A_64 : f32 to vector<16xf32>
      %select_n3A_67 = arith.select %lt3A_50, %broadcast_in_dim3A_65, %broadcast_in_dim3A_66 : vector<16xi1>, vector<16xf32>
      %scan3A_68 = arith.constant 0 : i32
      %scan3A_69 = arith.constant 0 : i32
      %scan3A_70 = arith.constant 16 : i32
      %scan3A_71 = arith.addi %scan3A_69, %scan3A_70 : i32
      %scan3A_72 = arith.constant 1 : i32
      %scan3A_73 = scf.for %scan3A_169 = %scan3A_69 to %scan3A_71 step %scan3A_72 iter_args(%scan3A_170 = %scan3A_68) -> (i32)  : i32 {
        %mul3A_171 = arith.constant 16 : i32
        %mul3A_172 = arith.muli %scan3A_169, %mul3A_171 : i32
        %get3A_173 = arith.index_cast %mul3A_172 : i32 to index
        %get3A_174 = tpu.vector_load %arg6[%get3A_173] {strides = array<i32>} : memref<272xf32, #tpu.memory_space<vmem>>, vector<16xf32>,
        %sub3A = arith.constant 0.000000e+00 : f32
        %sub3A_175 = vector.broadcast %sub3A : f32 to vector<16xf32>
        %sub3A_176 = arith.subf %sub3A_175, %get3A_174 : vector<16xf32>
        %get3A_177 = arith.index_cast %mul3A_172 : i32 to index
        %get3A_178 = tpu.vector_load %arg7[%get3A_177] {strides = array<i32>} : memref<272xf32, #tpu.memory_space<vmem>>, vector<16xf32>,
        %get3A_179 = arith.index_cast %mul3A_172 : i32 to index
        %get3A_180 = tpu.vector_load %arg8[%get3A_179] {strides = array<i32>} : memref<272xf32, #tpu.memory_space<vmem>>, vector<16xf32>,
        %mul3A_181 = arith.mulf %select_n3A_62, %get3A_180 : vector<16xf32>
        %add3A_182 = arith.addf %mul3A_181, %select_n3A_67 : vector<16xf32>
        %convert_element_type3A = arith.fptosi %sub3A_176 : vector<16xf32> to vector<16xi32>
        %convert_element_type3A_183 = arith.fptosi %get3A_178 : vector<16xf32> to vector<16xi32>
        %convert_element_type3A_184 = arith.sitofp %convert_element_type3A : vector<16xi32> to vector<16xf32>
        %sub3A_185 = arith.subf %sub3A_176, %convert_element_type3A_184 : vector<16xf32>
        %convert_element_type3A_186 = arith.sitofp %convert_element_type3A_183 : vector<16xi32> to vector<16xf32>
        %sub3A_187 = arith.subf %get3A_178, %convert_element_type3A_186 : vector<16xf32>
        %sub3A_188 = arith.constant 1.000000e+00 : f32
        %sub3A_189 = vector.broadcast %sub3A_188 : f32 to vector<16xf32>
        %sub3A_190 = arith.subf %sub3A_189, %sub3A_185 : vector<16xf32>
        %sub3A_191 = arith.constant 1.000000e+00 : f32
        %sub3A_192 = vector.broadcast %sub3A_191 : f32 to vector<16xf32>
        %sub3A_193 = arith.subf %sub3A_192, %sub3A_187 : vector<16xf32>
        %mul3A_194 = arith.constant 512 : i32
        %mul3A_195 = vector.broadcast %mul3A_194 : i32 to vector<16xi32>
        %mul3A_196 = arith.muli %convert_element_type3A, %mul3A_195 : vector<16xi32>
        %add3A_197 = arith.addi %mul3A_196, %convert_element_type3A_183 : vector<16xi32>
        %div3A_198 = arith.constant 2 : i32
        %div3A_199 = arith.divsi %scan3A_169, %div3A_198 : i32
        %add3A_200 = arith.constant 0 : i32
        %add3A_201 = arith.addi %add3A_200, %div3A_199 : i32
        %rem3A = arith.constant 2 : i32
        %rem3A_202 = arith.remsi %scan3A_169, %rem3A : i32
        %mul3A_203 = arith.constant 64 : i32
        %mul3A_204 = arith.muli %rem3A_202, %mul3A_203 : i32
        %swap3A_205 = arith.index_cast %add3A_201 : i32 to index
        %swap3A_206 = arith.index_cast %mul3A_204 : i32 to index
        %swap3A_207 = tpu.vector_load %arg9[%swap3A_205, %swap3A_206] {strides = array<i32>} : memref<16x128xi32, #tpu.memory_space<vmem>>, vector<16xi32>,
        tpu.vector_store %arg9[%swap3A_205, %swap3A_206], %add3A_197 {strides = array<i32>} : memref<16x128xi32, #tpu.memory_space<vmem>>, vector<16xi32>,
        %mul3A_208 = arith.mulf %add3A_182, %sub3A_190 : vector<16xf32>
        %mul3A_209 = arith.mulf %mul3A_208, %sub3A_193 : vector<16xf32>
        %swap3A_210 = arith.index_cast %add3A_201 : i32 to index
        %swap3A_211 = arith.index_cast %mul3A_204 : i32 to index
        %swap3A_212 = tpu.vector_load %arg10[%swap3A_210, %swap3A_211] {strides = array<i32>} : memref<16x128xf32, #tpu.memory_space<vmem>>, vector<16xf32>,
        tpu.vector_store %arg10[%swap3A_210, %swap3A_211], %mul3A_209 {strides = array<i32>} : memref<16x128xf32, #tpu.memory_space<vmem>>, vector<16xf32>,
        %add3A_213 = arith.constant 512 : i32
        %add3A_214 = vector.broadcast %add3A_213 : i32 to vector<16xi32>
        %add3A_215 = arith.addi %add3A_197, %add3A_214 : vector<16xi32>
        %add3A_216 = arith.constant 16 : i32
        %add3A_217 = arith.addi %mul3A_204, %add3A_216 : i32
        %swap3A_218 = arith.index_cast %add3A_201 : i32 to index
        %swap3A_219 = arith.index_cast %add3A_217 : i32 to index
        %swap3A_220 = tpu.vector_load %arg9[%swap3A_218, %swap3A_219] {strides = array<i32>} : memref<16x128xi32, #tpu.memory_space<vmem>>, vector<16xi32>,
        tpu.vector_store %arg9[%swap3A_218, %swap3A_219], %add3A_215 {strides = array<i32>} : memref<16x128xi32, #tpu.memory_space<vmem>>, vector<16xi32>,
        %mul3A_221 = arith.mulf %add3A_182, %sub3A_185 : vector<16xf32>
        %mul3A_222 = arith.mulf %mul3A_221, %sub3A_193 : vector<16xf32>
        %add3A_223 = arith.constant 16 : i32
        %add3A_224 = arith.addi %mul3A_204, %add3A_223 : i32
        %swap3A_225 = arith.index_cast %add3A_201 : i32 to index
        %swap3A_226 = arith.index_cast %add3A_224 : i32 to index
        %swap3A_227 = tpu.vector_load %arg10[%swap3A_225, %swap3A_226] {strides = array<i32>} : memref<16x128xf32, #tpu.memory_space<vmem>>, vector<16xf32>,
        tpu.vector_store %arg10[%swap3A_225, %swap3A_226], %mul3A_222 {strides = array<i32>} : memref<16x128xf32, #tpu.memory_space<vmem>>, vector<16xf32>,
        %add3A_228 = arith.constant 1 : i32
        %add3A_229 = vector.broadcast %add3A_228 : i32 to vector<16xi32>
        %add3A_230 = arith.addi %add3A_197, %add3A_229 : vector<16xi32>
        %add3A_231 = arith.constant 32 : i32
        %add3A_232 = arith.addi %mul3A_204, %add3A_231 : i32
        %swap3A_233 = arith.index_cast %add3A_201 : i32 to index
        %swap3A_234 = arith.index_cast %add3A_232 : i32 to index
        %swap3A_235 = tpu.vector_load %arg9[%swap3A_233, %swap3A_234] {strides = array<i32>} : memref<16x128xi32, #tpu.memory_space<vmem>>, vector<16xi32>,
        tpu.vector_store %arg9[%swap3A_233, %swap3A_234], %add3A_230 {strides = array<i32>} : memref<16x128xi32, #tpu.memory_space<vmem>>, vector<16xi32>,
        %mul3A_236 = arith.mulf %add3A_182, %sub3A_190 : vector<16xf32>
        %mul3A_237 = arith.mulf %mul3A_236, %sub3A_187 : vector<16xf32>
        %add3A_238 = arith.constant 32 : i32
        %add3A_239 = arith.addi %mul3A_204, %add3A_238 : i32
        %swap3A_240 = arith.index_cast %add3A_201 : i32 to index
        %swap3A_241 = arith.index_cast %add3A_239 : i32 to index
        %swap3A_242 = tpu.vector_load %arg10[%swap3A_240, %swap3A_241] {strides = array<i32>} : memref<16x128xf32, #tpu.memory_space<vmem>>, vector<16xf32>,
        tpu.vector_store %arg10[%swap3A_240, %swap3A_241], %mul3A_237 {strides = array<i32>} : memref<16x128xf32, #tpu.memory_space<vmem>>, vector<16xf32>,
        %add3A_243 = arith.constant 512 : i32
        %add3A_244 = vector.broadcast %add3A_243 : i32 to vector<16xi32>
        %add3A_245 = arith.addi %add3A_197, %add3A_244 : vector<16xi32>
        %add3A_246 = arith.constant 1 : i32
        %add3A_247 = vector.broadcast %add3A_246 : i32 to vector<16xi32>
        %add3A_248 = arith.addi %add3A_245, %add3A_247 : vector<16xi32>
        %add3A_249 = arith.constant 48 : i32
        %add3A_250 = arith.addi %mul3A_204, %add3A_249 : i32
        %swap3A_251 = arith.index_cast %add3A_201 : i32 to index
        %swap3A_252 = arith.index_cast %add3A_250 : i32 to index
        %swap3A_253 = tpu.vector_load %arg9[%swap3A_251, %swap3A_252] {strides = array<i32>} : memref<16x128xi32, #tpu.memory_space<vmem>>, vector<16xi32>,
        tpu.vector_store %arg9[%swap3A_251, %swap3A_252], %add3A_248 {strides = array<i32>} : memref<16x128xi32, #tpu.memory_space<vmem>>, vector<16xi32>,
        %mul3A_254 = arith.mulf %add3A_182, %sub3A_185 : vector<16xf32>
        %mul3A_255 = arith.mulf %mul3A_254, %sub3A_187 : vector<16xf32>
        %add3A_256 = arith.constant 48 : i32
        %add3A_257 = arith.addi %mul3A_204, %add3A_256 : i32
        %swap3A_258 = arith.index_cast %add3A_201 : i32 to index
        %swap3A_259 = arith.index_cast %add3A_257 : i32 to index
        %swap3A_260 = tpu.vector_load %arg10[%swap3A_258, %swap3A_259] {strides = array<i32>} : memref<16x128xf32, #tpu.memory_space<vmem>>, vector<16xf32>,
        tpu.vector_store %arg10[%swap3A_258, %swap3A_259], %mul3A_255 {strides = array<i32>} : memref<16x128xf32, #tpu.memory_space<vmem>>, vector<16xf32>,
        %scan3A_261 = arith.constant 0 : i32
        scf.yield %scan3A_261 : i32
      }
      %scan3A_74 = arith.constant 16 : i32
      %mul3A_75 = arith.constant 2 : i32
      %mul3A_76 = arith.muli %arg1, %mul3A_75 : i32
      %add3A_77 = arith.constant 1 : i32
      %add3A_78 = arith.addi %mul3A_76, %add3A_77 : i32
      "tpu.region"() ({
        %run_scoped3A_169 = tpu.sem_alloc : memref<!tpu.dma_semaphore, #tpu.memory_space<semaphore_mem>>
        %dma_start3A = arith.constant 0 : i32
        %dma_start3A_170 = tpu.memref_slice %arg6[%dma_start3A] : memref<272xf32, #tpu.memory_space<vmem>> -> memref<256xf32, #tpu.memory_space<vmem>>
        %dma_start3A_171 = arith.constant 0 : i32
        %dma_start3A_172 = tpu.memref_slice %arg2[%add3A, %add3A_78, %dma_start3A_171] : memref<128x32x256xf32, #tpu.memory_space<hbm>> -> memref<1x1x256xf32, #tpu.memory_space<hbm>>
        %dma_start3A_173 = tpu.memref_squeeze %dma_start3A_172 : memref<1x1x256xf32, #tpu.memory_space<hbm>> -> memref<256xf32, #tpu.memory_space<hbm>>
        %dma_start3A_174 = arith.constant 0 : i32
        %dma_start3A_175 = tpu.memref_slice %arg6[%dma_start3A_174] : memref<272xf32, #tpu.memory_space<vmem>> -> memref<256xf32, #tpu.memory_space<vmem>>
        %dma_start3A_176 = arith.constant 0 : i32
        %dma_start3A_177 = tpu.memref_slice %arg2[%add3A, %add3A_78, %dma_start3A_176] : memref<128x32x256xf32, #tpu.memory_space<hbm>> -> memref<1x1x256xf32, #tpu.memory_space<hbm>>
        %dma_start3A_178 = tpu.memref_squeeze %dma_start3A_177 : memref<1x1x256xf32, #tpu.memory_space<hbm>> -> memref<256xf32, #tpu.memory_space<hbm>>
        tpu.enqueue_dma source(%dma_start3A_178 : memref<256xf32, #tpu.memory_space<hbm>>) target(%dma_start3A_175 : memref<256xf32, #tpu.memory_space<vmem>>) target_semaphore(%run_scoped3A_169 : memref<!tpu.dma_semaphore, #tpu.memory_space<semaphore_mem>>)
        %dma_wait3A = arith.constant 0 : i32
        %dma_wait3A_179 = tpu.memref_slice %arg6[%dma_wait3A] : memref<272xf32, #tpu.memory_space<vmem>> -> memref<256xf32, #tpu.memory_space<vmem>>
        %dma_wait3A_180 = arith.constant 0 : i32
        %dma_wait3A_181 = tpu.memref_slice %arg2[%add3A, %add3A_78, %dma_wait3A_180] : memref<128x32x256xf32, #tpu.memory_space<hbm>> -> memref<1x1x256xf32, #tpu.memory_space<hbm>>
        %dma_wait3A_182 = tpu.memref_squeeze %dma_wait3A_181 : memref<1x1x256xf32, #tpu.memory_space<hbm>> -> memref<256xf32, #tpu.memory_space<hbm>>
        %dma_wait3A_183 = arith.constant 0 : i32
        %dma_wait3A_184 = tpu.memref_slice %arg6[%dma_wait3A_183] : memref<272xf32, #tpu.memory_space<vmem>> -> memref<256xf32, #tpu.memory_space<vmem>>
        %dma_wait3A_185 = arith.constant 0 : i32
        %dma_wait3A_186 = tpu.memref_slice %arg2[%add3A, %add3A_78, %dma_wait3A_185] : memref<128x32x256xf32, #tpu.memory_space<hbm>> -> memref<1x1x256xf32, #tpu.memory_space<hbm>>
        %dma_wait3A_187 = tpu.memref_squeeze %dma_wait3A_186 : memref<1x1x256xf32, #tpu.memory_space<hbm>> -> memref<256xf32, #tpu.memory_space<hbm>>
        tpu.wait_dma2 semaphore(%run_scoped3A_169 : memref<!tpu.dma_semaphore, #tpu.memory_space<semaphore_mem>>) src(%dma_wait3A_187 : memref<256xf32, #tpu.memory_space<hbm>>) dst(%dma_wait3A_184 : memref<256xf32, #tpu.memory_space<vmem>>)
        tpu.yield
      }) : () -> ()
      "tpu.region"() ({
        %run_scoped3A_169 = tpu.sem_alloc : memref<!tpu.dma_semaphore, #tpu.memory_space<semaphore_mem>>
        %dma_start3A = arith.constant 0 : i32
        %dma_start3A_170 = tpu.memref_slice %arg7[%dma_start3A] : memref<272xf32, #tpu.memory_space<vmem>> -> memref<256xf32, #tpu.memory_space<vmem>>
        %dma_start3A_171 = arith.constant 0 : i32
        %dma_start3A_172 = tpu.memref_slice %arg3[%add3A, %add3A_78, %dma_start3A_171] : memref<128x32x256xf32, #tpu.memory_space<hbm>> -> memref<1x1x256xf32, #tpu.memory_space<hbm>>
        %dma_start3A_173 = tpu.memref_squeeze %dma_start3A_172 : memref<1x1x256xf32, #tpu.memory_space<hbm>> -> memref<256xf32, #tpu.memory_space<hbm>>
        %dma_start3A_174 = arith.constant 0 : i32
        %dma_start3A_175 = tpu.memref_slice %arg7[%dma_start3A_174] : memref<272xf32, #tpu.memory_space<vmem>> -> memref<256xf32, #tpu.memory_space<vmem>>
        %dma_start3A_176 = arith.constant 0 : i32
        %dma_start3A_177 = tpu.memref_slice %arg3[%add3A, %add3A_78, %dma_start3A_176] : memref<128x32x256xf32, #tpu.memory_space<hbm>> -> memref<1x1x256xf32, #tpu.memory_space<hbm>>
        %dma_start3A_178 = tpu.memref_squeeze %dma_start3A_177 : memref<1x1x256xf32, #tpu.memory_space<hbm>> -> memref<256xf32, #tpu.memory_space<hbm>>
        tpu.enqueue_dma source(%dma_start3A_178 : memref<256xf32, #tpu.memory_space<hbm>>) target(%dma_start3A_175 : memref<256xf32, #tpu.memory_space<vmem>>) target_semaphore(%run_scoped3A_169 : memref<!tpu.dma_semaphore, #tpu.memory_space<semaphore_mem>>)
        %dma_wait3A = arith.constant 0 : i32
        %dma_wait3A_179 = tpu.memref_slice %arg7[%dma_wait3A] : memref<272xf32, #tpu.memory_space<vmem>> -> memref<256xf32, #tpu.memory_space<vmem>>
        %dma_wait3A_180 = arith.constant 0 : i32
        %dma_wait3A_181 = tpu.memref_slice %arg3[%add3A, %add3A_78, %dma_wait3A_180] : memref<128x32x256xf32, #tpu.memory_space<hbm>> -> memref<1x1x256xf32, #tpu.memory_space<hbm>>
        %dma_wait3A_182 = tpu.memref_squeeze %dma_wait3A_181 : memref<1x1x256xf32, #tpu.memory_space<hbm>> -> memref<256xf32, #tpu.memory_space<hbm>>
        %dma_wait3A_183 = arith.constant 0 : i32
        %dma_wait3A_184 = tpu.memref_slice %arg7[%dma_wait3A_183] : memref<272xf32, #tpu.memory_space<vmem>> -> memref<256xf32, #tpu.memory_space<vmem>>
        %dma_wait3A_185 = arith.constant 0 : i32
        %dma_wait3A_186 = tpu.memref_slice %arg3[%add3A, %add3A_78, %dma_wait3A_185] : memref<128x32x256xf32, #tpu.memory_space<hbm>> -> memref<1x1x256xf32, #tpu.memory_space<hbm>>
        %dma_wait3A_187 = tpu.memref_squeeze %dma_wait3A_186 : memref<1x1x256xf32, #tpu.memory_space<hbm>> -> memref<256xf32, #tpu.memory_space<hbm>>
        tpu.wait_dma2 semaphore(%run_scoped3A_169 : memref<!tpu.dma_semaphore, #tpu.memory_space<semaphore_mem>>) src(%dma_wait3A_187 : memref<256xf32, #tpu.memory_space<hbm>>) dst(%dma_wait3A_184 : memref<256xf32, #tpu.memory_space<vmem>>)
        tpu.yield
      }) : () -> ()
      %broadcast_in_dim3A_79 = arith.constant 0.000000e+00 : f32
      %broadcast_in_dim3A_80 = vector.broadcast %broadcast_in_dim3A_79 : f32 to vector<16xf32>
      %scan3A_81 = arith.constant 0 : i32
      %scan3A_82 = arith.constant 16 : i32
      %scan3A_83 = arith.addi %scan3A_81, %scan3A_82 : i32
      %scan3A_84 = arith.constant 1 : i32
      %scan3A_85 = scf.for %scan3A_169 = %scan3A_81 to %scan3A_83 step %scan3A_84 iter_args(%scan3A_170 = %broadcast_in_dim3A_80) -> (vector<16xf32>)  : i32 {
        %mul3A_171 = arith.constant 16 : i32
        %mul3A_172 = arith.muli %scan3A_169, %mul3A_171 : i32
        %get3A_173 = arith.index_cast %mul3A_172 : i32 to index
        %get3A_174 = tpu.vector_load %arg6[%get3A_173] {strides = array<i32>} : memref<272xf32, #tpu.memory_space<vmem>>, vector<16xf32>,
        %add3A_175 = arith.constant 1 : i32
        %add3A_176 = arith.addi %mul3A_172, %add3A_175 : i32
        %get3A_177 = arith.index_cast %add3A_176 : i32 to index
        %get3A_178 = tpu.vector_load %arg6[%get3A_177] {strides = array<i32>} : memref<272xf32, #tpu.memory_space<vmem>>, vector<16xf32>,
        %get3A_179 = arith.index_cast %mul3A_172 : i32 to index
        %get3A_180 = tpu.vector_load %arg7[%get3A_179] {strides = array<i32>} : memref<272xf32, #tpu.memory_space<vmem>>, vector<16xf32>,
        %add3A_181 = arith.constant 1 : i32
        %add3A_182 = arith.addi %mul3A_172, %add3A_181 : i32
        %get3A_183 = arith.index_cast %add3A_182 : i32 to index
        %get3A_184 = tpu.vector_load %arg7[%get3A_183] {strides = array<i32>} : memref<272xf32, #tpu.memory_space<vmem>>, vector<16xf32>,
        %sub3A = arith.subf %get3A_178, %get3A_174 : vector<16xf32>
        %sub3A_185 = arith.subf %get3A_184, %get3A_180 : vector<16xf32>
        %mul3A_186 = arith.mulf %sub3A, %sub3A : vector<16xf32>
        %mul3A_187 = arith.mulf %sub3A_185, %sub3A_185 : vector<16xf32>
        %add3A_188 = arith.addf %mul3A_186, %mul3A_187 : vector<16xf32>
        %max3A_189 = arith.constant 1.000000e-24 : f32
        %max3A_190 = vector.broadcast %max3A_189 : f32 to vector<16xf32>
        %max3A_191 = arith.maximumf %add3A_188, %max3A_190 : vector<16xf32>
        %bitcast_convert_type3A = tpu.bitcast %max3A_191 : vector<16xf32> -> vector<16xi32>
        %shift_right_logical3A = arith.constant 1 : i32
        %shift_right_logical3A_192 = vector.broadcast %shift_right_logical3A : i32 to vector<16xi32>
        %shift_right_logical3A_193 = arith.shrui %bitcast_convert_type3A, %shift_right_logical3A_192 : vector<16xi32>
        %sub3A_194 = arith.constant 1597463007 : i32
        %sub3A_195 = vector.broadcast %sub3A_194 : i32 to vector<16xi32>
        %sub3A_196 = arith.subi %sub3A_195, %shift_right_logical3A_193 : vector<16xi32>
        %bitcast_convert_type3A_197 = tpu.bitcast %sub3A_196 : vector<16xi32> -> vector<16xf32>
        %mul3A_198 = arith.constant 5.000000e-01 : f32
        %mul3A_199 = vector.broadcast %mul3A_198 : f32 to vector<16xf32>
        %mul3A_200 = arith.mulf %mul3A_199, %max3A_191 : vector<16xf32>
        %mul3A_201 = arith.mulf %mul3A_200, %bitcast_convert_type3A_197 : vector<16xf32>
        %mul3A_202 = arith.mulf %mul3A_201, %bitcast_convert_type3A_197 : vector<16xf32>
        %sub3A_203 = arith.constant 1.500000e+00 : f32
        %sub3A_204 = vector.broadcast %sub3A_203 : f32 to vector<16xf32>
        %sub3A_205 = arith.subf %sub3A_204, %mul3A_202 : vector<16xf32>
        %mul3A_206 = arith.mulf %bitcast_convert_type3A_197, %sub3A_205 : vector<16xf32>
        %mul3A_207 = arith.constant 5.000000e-01 : f32
        %mul3A_208 = vector.broadcast %mul3A_207 : f32 to vector<16xf32>
        %mul3A_209 = arith.mulf %mul3A_208, %max3A_191 : vector<16xf32>
        %mul3A_210 = arith.mulf %mul3A_209, %mul3A_206 : vector<16xf32>
        %mul3A_211 = arith.mulf %mul3A_210, %mul3A_206 : vector<16xf32>
        %sub3A_212 = arith.constant 1.500000e+00 : f32
        %sub3A_213 = vector.broadcast %sub3A_212 : f32 to vector<16xf32>
        %sub3A_214 = arith.subf %sub3A_213, %mul3A_211 : vector<16xf32>
        %mul3A_215 = arith.mulf %mul3A_206, %sub3A_214 : vector<16xf32>
        %mul3A_216 = arith.constant 5.000000e-01 : f32
        %mul3A_217 = vector.broadcast %mul3A_216 : f32 to vector<16xf32>
        %mul3A_218 = arith.mulf %mul3A_217, %max3A_191 : vector<16xf32>
        %mul3A_219 = arith.mulf %mul3A_218, %mul3A_215 : vector<16xf32>
        %mul3A_220 = arith.mulf %mul3A_219, %mul3A_215 : vector<16xf32>
        %sub3A_221 = arith.constant 1.500000e+00 : f32
        %sub3A_222 = vector.broadcast %sub3A_221 : f32 to vector<16xf32>
        %sub3A_223 = arith.subf %sub3A_222, %mul3A_220 : vector<16xf32>
        %mul3A_224 = arith.mulf %mul3A_215, %sub3A_223 : vector<16xf32>
        %mul3A_225 = arith.mulf %max3A_191, %mul3A_224 : vector<16xf32>
        %min3A = arith.constant 2.000000e+00 : f32
        %min3A_226 = vector.broadcast %min3A : f32 to vector<16xf32>
        %min3A_227 = arith.minimumf %mul3A_225, %min3A_226 : vector<16xf32>
        %eq3A_228 = arith.constant 15 : i32
        %eq3A_229 = vector.broadcast %eq3A_228 : i32 to vector<16xi32>
        %eq3A_230 = arith.cmpi eq, %iota3A, %eq3A_229 : vector<16xi32>
        %eq3A_231 = arith.constant 15 : i32
        %eq3A_232 = arith.cmpi eq, %scan3A_169, %eq3A_231 : i32
        %and3A = vector.broadcast %eq3A_232 : i1 to vector<16xi1>
        %and3A_233 = arith.andi %eq3A_230, %and3A : vector<16xi1>
        %jit3A_234 = arith.constant 0.000000e+00 : f32
        %broadcast_in_dim3A_235 = vector.broadcast %jit3A_234 : f32 to vector<16xf32>
        %select_n3A_236 = arith.select %and3A_233, %broadcast_in_dim3A_235, %min3A_227 : vector<16xi1>, vector<16xf32>
        %add3A_237 = arith.constant 1 : i32
        %add3A_238 = arith.addi %mul3A_172, %add3A_237 : i32
        %swap3A_239 = arith.index_cast %add3A_238 : i32 to index
        %swap3A_240 = tpu.vector_load %arg8[%swap3A_239] {strides = array<i32>} : memref<272xf32, #tpu.memory_space<vmem>>, vector<16xf32>,
        tpu.vector_store %arg8[%swap3A_239], %select_n3A_236 {strides = array<i32>} : memref<272xf32, #tpu.memory_space<vmem>>, vector<16xf32>,
        %add3A_241 = arith.addf %scan3A_170, %select_n3A_236 : vector<16xf32>
        scf.yield %add3A_241 : vector<16xf32>
      }
      %scan3A_86 = arith.constant 16 : i32
      %get3A_87 = arith.constant 0 : index
      %get3A_88 = tpu.vector_load %arg8[%get3A_87] {strides = array<i32>} : memref<272xf32, #tpu.memory_space<vmem>>, vector<16xf32>,
      %get3A_89 = arith.constant 1 : index
      %get3A_90 = tpu.vector_load %arg8[%get3A_89] {strides = array<i32>} : memref<272xf32, #tpu.memory_space<vmem>>, vector<16xf32>,
      %slice3A_91 = vector.extract_strided_slice %get3A_90 {offsets = [0], sizes = [1], strides = [1]} : vector<16xf32> to vector<1xf32>
      %squeeze3A_92 = vector.extract %slice3A_91[0] : f32 from vector<1xf32>
      %eq3A_93 = arith.constant 0 : i32
      %eq3A_94 = vector.broadcast %eq3A_93 : i32 to vector<16xi32>
      %eq3A_95 = arith.cmpi eq, %iota3A, %eq3A_94 : vector<16xi32>
      %broadcast_in_dim3A_96 = vector.broadcast %squeeze3A_92 : f32 to vector<16xf32>
      %select_n3A_97 = arith.select %eq3A_95, %broadcast_in_dim3A_96, %get3A_88 : vector<16xi1>, vector<16xf32>
      %swap3A_98 = arith.constant 0 : index
      %swap3A_99 = tpu.vector_load %arg8[%swap3A_98] {strides = array<i32>} : memref<272xf32, #tpu.memory_space<vmem>>, vector<16xf32>,
      tpu.vector_store %arg8[%swap3A_98], %select_n3A_97 {strides = array<i32>} : memref<272xf32, #tpu.memory_space<vmem>>, vector<16xf32>,
      %reduce_sum3A_100 = arith.constant true
      %reduce_sum3A_101 = vector.broadcast %reduce_sum3A_100 : i1 to vector<16xi1>
      %reduce_sum3A_102 = tpu.scan <sum>, %scan3A_85 masked %reduce_sum3A_101 : vector<16xf32>, vector<16xi1> -> vector<16xf32>
      %reduce_sum3A_103 = vector.extract %reduce_sum3A_102[15] : f32 from vector<16xf32>
      %add3A_104 = arith.addf %reduce_sum3A_103, %squeeze3A_92 : f32
      %broadcast_in_dim3A_105 = vector.broadcast %add3A_104 : f32 to vector<16xf32>
      %lt3A_106 = arith.constant 2.220000e-06 : f32
      %lt3A_107 = vector.broadcast %lt3A_106 : f32 to vector<16xf32>
      %lt3A_108 = arith.cmpf olt, %broadcast_in_dim3A_105, %lt3A_107 : vector<16xf32>
      %lt3A_109 = arith.constant 2.000000e+00 : f32
      %lt3A_110 = vector.broadcast %lt3A_109 : f32 to vector<16xf32>
      %lt3A_111 = arith.cmpf olt, %broadcast_in_dim3A_105, %lt3A_110 : vector<16xf32>
      %max3A_112 = arith.constant 9.99999968E-21 : f32
      %max3A_113 = vector.broadcast %max3A_112 : f32 to vector<16xf32>
      %max3A_114 = arith.maximumf %broadcast_in_dim3A_105, %max3A_113 : vector<16xf32>
      %div3A_115 = arith.constant 2.000000e+00 : f32
      %div3A_116 = vector.broadcast %div3A_115 : f32 to vector<16xf32>
      %div3A_117 = arith.divf %div3A_116, %max3A_114 : vector<16xf32>
      %jit3A_118 = arith.constant 1.000000e+00 : f32
      %broadcast_in_dim3A_119 = vector.broadcast %jit3A_118 : f32 to vector<16xf32>
      %select_n3A_120 = arith.select %lt3A_111, %div3A_117, %broadcast_in_dim3A_119 : vector<16xi1>, vector<16xf32>
      %jit3A_121 = arith.constant 0.000000e+00 : f32
      %broadcast_in_dim3A_122 = vector.broadcast %jit3A_121 : f32 to vector<16xf32>
      %select_n3A_123 = arith.select %lt3A_108, %broadcast_in_dim3A_122, %select_n3A_120 : vector<16xi1>, vector<16xf32>
      %jit3A_124 = arith.constant 7.812500e-03 : f32
      %jit3A_125 = arith.constant 0.000000e+00 : f32
      %broadcast_in_dim3A_126 = vector.broadcast %jit3A_124 : f32 to vector<16xf32>
      %broadcast_in_dim3A_127 = vector.broadcast %jit3A_125 : f32 to vector<16xf32>
      %select_n3A_128 = arith.select %lt3A_108, %broadcast_in_dim3A_126, %broadcast_in_dim3A_127 : vector<16xi1>, vector<16xf32>
      %scan3A_129 = arith.constant 0 : i32
      %scan3A_130 = arith.constant 0 : i32
      %scan3A_131 = arith.constant 16 : i32
      %scan3A_132 = arith.addi %scan3A_130, %scan3A_131 : i32
      %scan3A_133 = arith.constant 1 : i32
      %scan3A_134 = scf.for %scan3A_169 = %scan3A_130 to %scan3A_132 step %scan3A_133 iter_args(%scan3A_170 = %scan3A_129) -> (i32)  : i32 {
        %mul3A_171 = arith.constant 16 : i32
        %mul3A_172 = arith.muli %scan3A_169, %mul3A_171 : i32
        %get3A_173 = arith.index_cast %mul3A_172 : i32 to index
        %get3A_174 = tpu.vector_load %arg6[%get3A_173] {strides = array<i32>} : memref<272xf32, #tpu.memory_space<vmem>>, vector<16xf32>,
        %sub3A = arith.constant 0.000000e+00 : f32
        %sub3A_175 = vector.broadcast %sub3A : f32 to vector<16xf32>
        %sub3A_176 = arith.subf %sub3A_175, %get3A_174 : vector<16xf32>
        %get3A_177 = arith.index_cast %mul3A_172 : i32 to index
        %get3A_178 = tpu.vector_load %arg7[%get3A_177] {strides = array<i32>} : memref<272xf32, #tpu.memory_space<vmem>>, vector<16xf32>,
        %get3A_179 = arith.index_cast %mul3A_172 : i32 to index
        %get3A_180 = tpu.vector_load %arg8[%get3A_179] {strides = array<i32>} : memref<272xf32, #tpu.memory_space<vmem>>, vector<16xf32>,
        %mul3A_181 = arith.mulf %select_n3A_123, %get3A_180 : vector<16xf32>
        %add3A_182 = arith.addf %mul3A_181, %select_n3A_128 : vector<16xf32>
        %convert_element_type3A = arith.fptosi %sub3A_176 : vector<16xf32> to vector<16xi32>
        %convert_element_type3A_183 = arith.fptosi %get3A_178 : vector<16xf32> to vector<16xi32>
        %convert_element_type3A_184 = arith.sitofp %convert_element_type3A : vector<16xi32> to vector<16xf32>
        %sub3A_185 = arith.subf %sub3A_176, %convert_element_type3A_184 : vector<16xf32>
        %convert_element_type3A_186 = arith.sitofp %convert_element_type3A_183 : vector<16xi32> to vector<16xf32>
        %sub3A_187 = arith.subf %get3A_178, %convert_element_type3A_186 : vector<16xf32>
        %sub3A_188 = arith.constant 1.000000e+00 : f32
        %sub3A_189 = vector.broadcast %sub3A_188 : f32 to vector<16xf32>
        %sub3A_190 = arith.subf %sub3A_189, %sub3A_185 : vector<16xf32>
        %sub3A_191 = arith.constant 1.000000e+00 : f32
        %sub3A_192 = vector.broadcast %sub3A_191 : f32 to vector<16xf32>
        %sub3A_193 = arith.subf %sub3A_192, %sub3A_187 : vector<16xf32>
        %mul3A_194 = arith.constant 512 : i32
        %mul3A_195 = vector.broadcast %mul3A_194 : i32 to vector<16xi32>
        %mul3A_196 = arith.muli %convert_element_type3A, %mul3A_195 : vector<16xi32>
        %add3A_197 = arith.addi %mul3A_196, %convert_element_type3A_183 : vector<16xi32>
        %div3A_198 = arith.constant 2 : i32
        %div3A_199 = arith.divsi %scan3A_169, %div3A_198 : i32
        %add3A_200 = arith.constant 8 : i32
        %add3A_201 = arith.addi %add3A_200, %div3A_199 : i32
        %rem3A = arith.constant 2 : i32
        %rem3A_202 = arith.remsi %scan3A_169, %rem3A : i32
        %mul3A_203 = arith.constant 64 : i32
        %mul3A_204 = arith.muli %rem3A_202, %mul3A_203 : i32
        %swap3A_205 = arith.index_cast %add3A_201 : i32 to index
        %swap3A_206 = arith.index_cast %mul3A_204 : i32 to index
        %swap3A_207 = tpu.vector_load %arg9[%swap3A_205, %swap3A_206] {strides = array<i32>} : memref<16x128xi32, #tpu.memory_space<vmem>>, vector<16xi32>,
        tpu.vector_store %arg9[%swap3A_205, %swap3A_206], %add3A_197 {strides = array<i32>} : memref<16x128xi32, #tpu.memory_space<vmem>>, vector<16xi32>,
        %mul3A_208 = arith.mulf %add3A_182, %sub3A_190 : vector<16xf32>
        %mul3A_209 = arith.mulf %mul3A_208, %sub3A_193 : vector<16xf32>
        %swap3A_210 = arith.index_cast %add3A_201 : i32 to index
        %swap3A_211 = arith.index_cast %mul3A_204 : i32 to index
        %swap3A_212 = tpu.vector_load %arg10[%swap3A_210, %swap3A_211] {strides = array<i32>} : memref<16x128xf32, #tpu.memory_space<vmem>>, vector<16xf32>,
        tpu.vector_store %arg10[%swap3A_210, %swap3A_211], %mul3A_209 {strides = array<i32>} : memref<16x128xf32, #tpu.memory_space<vmem>>, vector<16xf32>,
        %add3A_213 = arith.constant 512 : i32
        %add3A_214 = vector.broadcast %add3A_213 : i32 to vector<16xi32>
        %add3A_215 = arith.addi %add3A_197, %add3A_214 : vector<16xi32>
        %add3A_216 = arith.constant 16 : i32
        %add3A_217 = arith.addi %mul3A_204, %add3A_216 : i32
        %swap3A_218 = arith.index_cast %add3A_201 : i32 to index
        %swap3A_219 = arith.index_cast %add3A_217 : i32 to index
        %swap3A_220 = tpu.vector_load %arg9[%swap3A_218, %swap3A_219] {strides = array<i32>} : memref<16x128xi32, #tpu.memory_space<vmem>>, vector<16xi32>,
        tpu.vector_store %arg9[%swap3A_218, %swap3A_219], %add3A_215 {strides = array<i32>} : memref<16x128xi32, #tpu.memory_space<vmem>>, vector<16xi32>,
        %mul3A_221 = arith.mulf %add3A_182, %sub3A_185 : vector<16xf32>
        %mul3A_222 = arith.mulf %mul3A_221, %sub3A_193 : vector<16xf32>
        %add3A_223 = arith.constant 16 : i32
        %add3A_224 = arith.addi %mul3A_204, %add3A_223 : i32
        %swap3A_225 = arith.index_cast %add3A_201 : i32 to index
        %swap3A_226 = arith.index_cast %add3A_224 : i32 to index
        %swap3A_227 = tpu.vector_load %arg10[%swap3A_225, %swap3A_226] {strides = array<i32>} : memref<16x128xf32, #tpu.memory_space<vmem>>, vector<16xf32>,
        tpu.vector_store %arg10[%swap3A_225, %swap3A_226], %mul3A_222 {strides = array<i32>} : memref<16x128xf32, #tpu.memory_space<vmem>>, vector<16xf32>,
        %add3A_228 = arith.constant 1 : i32
        %add3A_229 = vector.broadcast %add3A_228 : i32 to vector<16xi32>
        %add3A_230 = arith.addi %add3A_197, %add3A_229 : vector<16xi32>
        %add3A_231 = arith.constant 32 : i32
        %add3A_232 = arith.addi %mul3A_204, %add3A_231 : i32
        %swap3A_233 = arith.index_cast %add3A_201 : i32 to index
        %swap3A_234 = arith.index_cast %add3A_232 : i32 to index
        %swap3A_235 = tpu.vector_load %arg9[%swap3A_233, %swap3A_234] {strides = array<i32>} : memref<16x128xi32, #tpu.memory_space<vmem>>, vector<16xi32>,
        tpu.vector_store %arg9[%swap3A_233, %swap3A_234], %add3A_230 {strides = array<i32>} : memref<16x128xi32, #tpu.memory_space<vmem>>, vector<16xi32>,
        %mul3A_236 = arith.mulf %add3A_182, %sub3A_190 : vector<16xf32>
        %mul3A_237 = arith.mulf %mul3A_236, %sub3A_187 : vector<16xf32>
        %add3A_238 = arith.constant 32 : i32
        %add3A_239 = arith.addi %mul3A_204, %add3A_238 : i32
        %swap3A_240 = arith.index_cast %add3A_201 : i32 to index
        %swap3A_241 = arith.index_cast %add3A_239 : i32 to index
        %swap3A_242 = tpu.vector_load %arg10[%swap3A_240, %swap3A_241] {strides = array<i32>} : memref<16x128xf32, #tpu.memory_space<vmem>>, vector<16xf32>,
        tpu.vector_store %arg10[%swap3A_240, %swap3A_241], %mul3A_237 {strides = array<i32>} : memref<16x128xf32, #tpu.memory_space<vmem>>, vector<16xf32>,
        %add3A_243 = arith.constant 512 : i32
        %add3A_244 = vector.broadcast %add3A_243 : i32 to vector<16xi32>
        %add3A_245 = arith.addi %add3A_197, %add3A_244 : vector<16xi32>
        %add3A_246 = arith.constant 1 : i32
        %add3A_247 = vector.broadcast %add3A_246 : i32 to vector<16xi32>
        %add3A_248 = arith.addi %add3A_245, %add3A_247 : vector<16xi32>
        %add3A_249 = arith.constant 48 : i32
        %add3A_250 = arith.addi %mul3A_204, %add3A_249 : i32
        %swap3A_251 = arith.index_cast %add3A_201 : i32 to index
        %swap3A_252 = arith.index_cast %add3A_250 : i32 to index
        %swap3A_253 = tpu.vector_load %arg9[%swap3A_251, %swap3A_252] {strides = array<i32>} : memref<16x128xi32, #tpu.memory_space<vmem>>, vector<16xi32>,
        tpu.vector_store %arg9[%swap3A_251, %swap3A_252], %add3A_248 {strides = array<i32>} : memref<16x128xi32, #tpu.memory_space<vmem>>, vector<16xi32>,
        %mul3A_254 = arith.mulf %add3A_182, %sub3A_185 : vector<16xf32>
        %mul3A_255 = arith.mulf %mul3A_254, %sub3A_187 : vector<16xf32>
        %add3A_256 = arith.constant 48 : i32
        %add3A_257 = arith.addi %mul3A_204, %add3A_256 : i32
        %swap3A_258 = arith.index_cast %add3A_201 : i32 to index
        %swap3A_259 = arith.index_cast %add3A_257 : i32 to index
        %swap3A_260 = tpu.vector_load %arg10[%swap3A_258, %swap3A_259] {strides = array<i32>} : memref<16x128xf32, #tpu.memory_space<vmem>>, vector<16xf32>,
        tpu.vector_store %arg10[%swap3A_258, %swap3A_259], %mul3A_255 {strides = array<i32>} : memref<16x128xf32, #tpu.memory_space<vmem>>, vector<16xf32>,
        %scan3A_261 = arith.constant 0 : i32
        scf.yield %scan3A_261 : i32
      }
      %scan3A_135 = arith.constant 16 : i32
      %barrier3A = arith.constant 0 : index
      tpu.barrier barrier_id(%barrier3A)
      %run_scoped3A = arith.constant 0 : i32
      %run_scoped3A_136 = arith.constant 0 : i32
      "tpu.region"() ({
        %run_scoped3A_169 = tpu.sem_alloc : memref<!tpu.dma_semaphore, #tpu.memory_space<semaphore_mem>>
        %dma_start3A = arith.constant 0 : i32
        %dma_start3A_170 = tpu.memref_slice %arg10[%run_scoped3A, %dma_start3A] : memref<16x128xf32, #tpu.memory_space<vmem>> -> memref<1x128xf32, #tpu.memory_space<vmem>>
        %dma_start3A_171 = tpu.memref_squeeze %dma_start3A_170 : memref<1x128xf32, #tpu.memory_space<vmem>> -> memref<128xf32, #tpu.memory_space<vmem>>
        %dma_start3A_172 = arith.constant 0 : i32
        %dma_start3A_173 = tpu.memref_slice %arg9[%run_scoped3A_136, %dma_start3A_172] : memref<16x128xi32, #tpu.memory_space<vmem>> -> memref<1x128xi32, #tpu.memory_space<vmem>>
        %dma_start3A_174 = tpu.memref_squeeze %dma_start3A_173 : memref<1x128xi32, #tpu.memory_space<vmem>> -> memref<128xi32, #tpu.memory_space<vmem>>
        %dma_start3A_175 = arith.constant 0 : i32
        %dma_start3A_176 = tpu.memref_slice %arg5[%dma_start3A_175] : memref<262144xf32, #tpu.memory_space<vmem_shared>> -> memref<262144xf32, #tpu.memory_space<vmem_shared>>
        tpu.enqueue_indirect_dma source(%dma_start3A_171 : memref<128xf32, #tpu.memory_space<vmem>>) target(%dma_start3A_176 : memref<262144xf32, #tpu.memory_space<vmem_shared>>) offsets(%dma_start3A_174 : memref<128xi32, #tpu.memory_space<vmem>>) semaphore(%run_scoped3A_169 : memref<!tpu.dma_semaphore, #tpu.memory_space<semaphore_mem>>) {add = true}
        %dma_wait3A = arith.constant 0 : i32
        %dma_wait3A_177 = tpu.memref_slice %arg10[%run_scoped3A, %dma_wait3A] : memref<16x128xf32, #tpu.memory_space<vmem>> -> memref<1x128xf32, #tpu.memory_space<vmem>>
        %dma_wait3A_178 = tpu.memref_squeeze %dma_wait3A_177 : memref<1x128xf32, #tpu.memory_space<vmem>> -> memref<128xf32, #tpu.memory_space<vmem>>
        %dma_wait3A_179 = arith.constant 0 : i32
        %dma_wait3A_180 = tpu.memref_slice %arg9[%run_scoped3A_136, %dma_wait3A_179] : memref<16x128xi32, #tpu.memory_space<vmem>> -> memref<1x128xi32, #tpu.memory_space<vmem>>
        %dma_wait3A_181 = tpu.memref_squeeze %dma_wait3A_180 : memref<1x128xi32, #tpu.memory_space<vmem>> -> memref<128xi32, #tpu.memory_space<vmem>>
        %dma_wait3A_182 = arith.constant 0 : i32
        %dma_wait3A_183 = tpu.memref_slice %arg5[%dma_wait3A_182] : memref<262144xf32, #tpu.memory_space<vmem_shared>> -> memref<262144xf32, #tpu.memory_space<vmem_shared>>
        tpu.wait_indirect_dma semaphore(%run_scoped3A_169 : memref<!tpu.dma_semaphore, #tpu.memory_space<semaphore_mem>>) src(%dma_wait3A_178 : memref<128xf32, #tpu.memory_space<vmem>>) dst(%dma_wait3A_183 : memref<262144xf32, #tpu.memory_space<vmem_shared>>)
        tpu.yield
      }) : () -> ()
      %run_scoped3A_137 = arith.constant 1 : i32
      %run_scoped3A_138 = arith.constant 1 : i32
      "tpu.region"() ({
        %run_scoped3A_169 = tpu.sem_alloc : memref<!tpu.dma_semaphore, #tpu.memory_space<semaphore_mem>>
        %dma_start3A = arith.constant 0 : i32
        %dma_start3A_170 = tpu.memref_slice %arg10[%run_scoped3A_137, %dma_start3A] : memref<16x128xf32, #tpu.memory_space<vmem>> -> memref<1x128xf32, #tpu.memory_space<vmem>>
        %dma_start3A_171 = tpu.memref_squeeze %dma_start3A_170 : memref<1x128xf32, #tpu.memory_space<vmem>> -> memref<128xf32, #tpu.memory_space<vmem>>
        %dma_start3A_172 = arith.constant 0 : i32
        %dma_start3A_173 = tpu.memref_slice %arg9[%run_scoped3A_138, %dma_start3A_172] : memref<16x128xi32, #tpu.memory_space<vmem>> -> memref<1x128xi32, #tpu.memory_space<vmem>>
        %dma_start3A_174 = tpu.memref_squeeze %dma_start3A_173 : memref<1x128xi32, #tpu.memory_space<vmem>> -> memref<128xi32, #tpu.memory_space<vmem>>
        %dma_start3A_175 = arith.constant 0 : i32
        %dma_start3A_176 = tpu.memref_slice %arg5[%dma_start3A_175] : memref<262144xf32, #tpu.memory_space<vmem_shared>> -> memref<262144xf32, #tpu.memory_space<vmem_shared>>
        tpu.enqueue_indirect_dma source(%dma_start3A_171 : memref<128xf32, #tpu.memory_space<vmem>>) target(%dma_start3A_176 : memref<262144xf32, #tpu.memory_space<vmem_shared>>) offsets(%dma_start3A_174 : memref<128xi32, #tpu.memory_space<vmem>>) semaphore(%run_scoped3A_169 : memref<!tpu.dma_semaphore, #tpu.memory_space<semaphore_mem>>) {add = true}
        %dma_wait3A = arith.constant 0 : i32
        %dma_wait3A_177 = tpu.memref_slice %arg10[%run_scoped3A_137, %dma_wait3A] : memref<16x128xf32, #tpu.memory_space<vmem>> -> memref<1x128xf32, #tpu.memory_space<vmem>>
        %dma_wait3A_178 = tpu.memref_squeeze %dma_wait3A_177 : memref<1x128xf32, #tpu.memory_space<vmem>> -> memref<128xf32, #tpu.memory_space<vmem>>
        %dma_wait3A_179 = arith.constant 0 : i32
        %dma_wait3A_180 = tpu.memref_slice %arg9[%run_scoped3A_138, %dma_wait3A_179] : memref<16x128xi32, #tpu.memory_space<vmem>> -> memref<1x128xi32, #tpu.memory_space<vmem>>
        %dma_wait3A_181 = tpu.memref_squeeze %dma_wait3A_180 : memref<1x128xi32, #tpu.memory_space<vmem>> -> memref<128xi32, #tpu.memory_space<vmem>>
        %dma_wait3A_182 = arith.constant 0 : i32
        %dma_wait3A_183 = tpu.memref_slice %arg5[%dma_wait3A_182] : memref<262144xf32, #tpu.memory_space<vmem_shared>> -> memref<262144xf32, #tpu.memory_space<vmem_shared>>
        tpu.wait_indirect_dma semaphore(%run_scoped3A_169 : memref<!tpu.dma_semaphore, #tpu.memory_space<semaphore_mem>>) src(%dma_wait3A_178 : memref<128xf32, #tpu.memory_space<vmem>>) dst(%dma_wait3A_183 : memref<262144xf32, #tpu.memory_space<vmem_shared>>)
        tpu.yield
      }) : () -> ()
      %run_scoped3A_139 = arith.constant 2 : i32
      %run_scoped3A_140 = arith.constant 2 : i32
      "tpu.region"() ({
        %run_scoped3A_169 = tpu.sem_alloc : memref<!tpu.dma_semaphore, #tpu.memory_space<semaphore_mem>>
        %dma_start3A = arith.constant 0 : i32
        %dma_start3A_170 = tpu.memref_slice %arg10[%run_scoped3A_139, %dma_start3A] : memref<16x128xf32, #tpu.memory_space<vmem>> -> memref<1x128xf32, #tpu.memory_space<vmem>>
        %dma_start3A_171 = tpu.memref_squeeze %dma_start3A_170 : memref<1x128xf32, #tpu.memory_space<vmem>> -> memref<128xf32, #tpu.memory_space<vmem>>
        %dma_start3A_172 = arith.constant 0 : i32
        %dma_start3A_173 = tpu.memref_slice %arg9[%run_scoped3A_140, %dma_start3A_172] : memref<16x128xi32, #tpu.memory_space<vmem>> -> memref<1x128xi32, #tpu.memory_space<vmem>>
        %dma_start3A_174 = tpu.memref_squeeze %dma_start3A_173 : memref<1x128xi32, #tpu.memory_space<vmem>> -> memref<128xi32, #tpu.memory_space<vmem>>
        %dma_start3A_175 = arith.constant 0 : i32
        %dma_start3A_176 = tpu.memref_slice %arg5[%dma_start3A_175] : memref<262144xf32, #tpu.memory_space<vmem_shared>> -> memref<262144xf32, #tpu.memory_space<vmem_shared>>
        tpu.enqueue_indirect_dma source(%dma_start3A_171 : memref<128xf32, #tpu.memory_space<vmem>>) target(%dma_start3A_176 : memref<262144xf32, #tpu.memory_space<vmem_shared>>) offsets(%dma_start3A_174 : memref<128xi32, #tpu.memory_space<vmem>>) semaphore(%run_scoped3A_169 : memref<!tpu.dma_semaphore, #tpu.memory_space<semaphore_mem>>) {add = true}
        %dma_wait3A = arith.constant 0 : i32
        %dma_wait3A_177 = tpu.memref_slice %arg10[%run_scoped3A_139, %dma_wait3A] : memref<16x128xf32, #tpu.memory_space<vmem>> -> memref<1x128xf32, #tpu.memory_space<vmem>>
        %dma_wait3A_178 = tpu.memref_squeeze %dma_wait3A_177 : memref<1x128xf32, #tpu.memory_space<vmem>> -> memref<128xf32, #tpu.memory_space<vmem>>
        %dma_wait3A_179 = arith.constant 0 : i32
        %dma_wait3A_180 = tpu.memref_slice %arg9[%run_scoped3A_140, %dma_wait3A_179] : memref<16x128xi32, #tpu.memory_space<vmem>> -> memref<1x128xi32, #tpu.memory_space<vmem>>
        %dma_wait3A_181 = tpu.memref_squeeze %dma_wait3A_180 : memref<1x128xi32, #tpu.memory_space<vmem>> -> memref<128xi32, #tpu.memory_space<vmem>>
        %dma_wait3A_182 = arith.constant 0 : i32
        %dma_wait3A_183 = tpu.memref_slice %arg5[%dma_wait3A_182] : memref<262144xf32, #tpu.memory_space<vmem_shared>> -> memref<262144xf32, #tpu.memory_space<vmem_shared>>
        tpu.wait_indirect_dma semaphore(%run_scoped3A_169 : memref<!tpu.dma_semaphore, #tpu.memory_space<semaphore_mem>>) src(%dma_wait3A_178 : memref<128xf32, #tpu.memory_space<vmem>>) dst(%dma_wait3A_183 : memref<262144xf32, #tpu.memory_space<vmem_shared>>)
        tpu.yield
      }) : () -> ()
      %run_scoped3A_141 = arith.constant 3 : i32
      %run_scoped3A_142 = arith.constant 3 : i32
      "tpu.region"() ({
        %run_scoped3A_169 = tpu.sem_alloc : memref<!tpu.dma_semaphore, #tpu.memory_space<semaphore_mem>>
        %dma_start3A = arith.constant 0 : i32
        %dma_start3A_170 = tpu.memref_slice %arg10[%run_scoped3A_141, %dma_start3A] : memref<16x128xf32, #tpu.memory_space<vmem>> -> memref<1x128xf32, #tpu.memory_space<vmem>>
        %dma_start3A_171 = tpu.memref_squeeze %dma_start3A_170 : memref<1x128xf32, #tpu.memory_space<vmem>> -> memref<128xf32, #tpu.memory_space<vmem>>
        %dma_start3A_172 = arith.constant 0 : i32
        %dma_start3A_173 = tpu.memref_slice %arg9[%run_scoped3A_142, %dma_start3A_172] : memref<16x128xi32, #tpu.memory_space<vmem>> -> memref<1x128xi32, #tpu.memory_space<vmem>>
        %dma_start3A_174 = tpu.memref_squeeze %dma_start3A_173 : memref<1x128xi32, #tpu.memory_space<vmem>> -> memref<128xi32, #tpu.memory_space<vmem>>
        %dma_start3A_175 = arith.constant 0 : i32
        %dma_start3A_176 = tpu.memref_slice %arg5[%dma_start3A_175] : memref<262144xf32, #tpu.memory_space<vmem_shared>> -> memref<262144xf32, #tpu.memory_space<vmem_shared>>
        tpu.enqueue_indirect_dma source(%dma_start3A_171 : memref<128xf32, #tpu.memory_space<vmem>>) target(%dma_start3A_176 : memref<262144xf32, #tpu.memory_space<vmem_shared>>) offsets(%dma_start3A_174 : memref<128xi32, #tpu.memory_space<vmem>>) semaphore(%run_scoped3A_169 : memref<!tpu.dma_semaphore, #tpu.memory_space<semaphore_mem>>) {add = true}
        %dma_wait3A = arith.constant 0 : i32
        %dma_wait3A_177 = tpu.memref_slice %arg10[%run_scoped3A_141, %dma_wait3A] : memref<16x128xf32, #tpu.memory_space<vmem>> -> memref<1x128xf32, #tpu.memory_space<vmem>>
        %dma_wait3A_178 = tpu.memref_squeeze %dma_wait3A_177 : memref<1x128xf32, #tpu.memory_space<vmem>> -> memref<128xf32, #tpu.memory_space<vmem>>
        %dma_wait3A_179 = arith.constant 0 : i32
        %dma_wait3A_180 = tpu.memref_slice %arg9[%run_scoped3A_142, %dma_wait3A_179] : memref<16x128xi32, #tpu.memory_space<vmem>> -> memref<1x128xi32, #tpu.memory_space<vmem>>
        %dma_wait3A_181 = tpu.memref_squeeze %dma_wait3A_180 : memref<1x128xi32, #tpu.memory_space<vmem>> -> memref<128xi32, #tpu.memory_space<vmem>>
        %dma_wait3A_182 = arith.constant 0 : i32
        %dma_wait3A_183 = tpu.memref_slice %arg5[%dma_wait3A_182] : memref<262144xf32, #tpu.memory_space<vmem_shared>> -> memref<262144xf32, #tpu.memory_space<vmem_shared>>
        tpu.wait_indirect_dma semaphore(%run_scoped3A_169 : memref<!tpu.dma_semaphore, #tpu.memory_space<semaphore_mem>>) src(%dma_wait3A_178 : memref<128xf32, #tpu.memory_space<vmem>>) dst(%dma_wait3A_183 : memref<262144xf32, #tpu.memory_space<vmem_shared>>)
        tpu.yield
      }) : () -> ()
      %run_scoped3A_143 = arith.constant 4 : i32
      %run_scoped3A_144 = arith.constant 4 : i32
      "tpu.region"() ({
        %run_scoped3A_169 = tpu.sem_alloc : memref<!tpu.dma_semaphore, #tpu.memory_space<semaphore_mem>>
        %dma_start3A = arith.constant 0 : i32
        %dma_start3A_170 = tpu.memref_slice %arg10[%run_scoped3A_143, %dma_start3A] : memref<16x128xf32, #tpu.memory_space<vmem>> -> memref<1x128xf32, #tpu.memory_space<vmem>>
        %dma_start3A_171 = tpu.memref_squeeze %dma_start3A_170 : memref<1x128xf32, #tpu.memory_space<vmem>> -> memref<128xf32, #tpu.memory_space<vmem>>
        %dma_start3A_172 = arith.constant 0 : i32
        %dma_start3A_173 = tpu.memref_slice %arg9[%run_scoped3A_144, %dma_start3A_172] : memref<16x128xi32, #tpu.memory_space<vmem>> -> memref<1x128xi32, #tpu.memory_space<vmem>>
        %dma_start3A_174 = tpu.memref_squeeze %dma_start3A_173 : memref<1x128xi32, #tpu.memory_space<vmem>> -> memref<128xi32, #tpu.memory_space<vmem>>
        %dma_start3A_175 = arith.constant 0 : i32
        %dma_start3A_176 = tpu.memref_slice %arg5[%dma_start3A_175] : memref<262144xf32, #tpu.memory_space<vmem_shared>> -> memref<262144xf32, #tpu.memory_space<vmem_shared>>
        tpu.enqueue_indirect_dma source(%dma_start3A_171 : memref<128xf32, #tpu.memory_space<vmem>>) target(%dma_start3A_176 : memref<262144xf32, #tpu.memory_space<vmem_shared>>) offsets(%dma_start3A_174 : memref<128xi32, #tpu.memory_space<vmem>>) semaphore(%run_scoped3A_169 : memref<!tpu.dma_semaphore, #tpu.memory_space<semaphore_mem>>) {add = true}
        %dma_wait3A = arith.constant 0 : i32
        %dma_wait3A_177 = tpu.memref_slice %arg10[%run_scoped3A_143, %dma_wait3A] : memref<16x128xf32, #tpu.memory_space<vmem>> -> memref<1x128xf32, #tpu.memory_space<vmem>>
        %dma_wait3A_178 = tpu.memref_squeeze %dma_wait3A_177 : memref<1x128xf32, #tpu.memory_space<vmem>> -> memref<128xf32, #tpu.memory_space<vmem>>
        %dma_wait3A_179 = arith.constant 0 : i32
        %dma_wait3A_180 = tpu.memref_slice %arg9[%run_scoped3A_144, %dma_wait3A_179] : memref<16x128xi32, #tpu.memory_space<vmem>> -> memref<1x128xi32, #tpu.memory_space<vmem>>
        %dma_wait3A_181 = tpu.memref_squeeze %dma_wait3A_180 : memref<1x128xi32, #tpu.memory_space<vmem>> -> memref<128xi32, #tpu.memory_space<vmem>>
        %dma_wait3A_182 = arith.constant 0 : i32
        %dma_wait3A_183 = tpu.memref_slice %arg5[%dma_wait3A_182] : memref<262144xf32, #tpu.memory_space<vmem_shared>> -> memref<262144xf32, #tpu.memory_space<vmem_shared>>
        tpu.wait_indirect_dma semaphore(%run_scoped3A_169 : memref<!tpu.dma_semaphore, #tpu.memory_space<semaphore_mem>>) src(%dma_wait3A_178 : memref<128xf32, #tpu.memory_space<vmem>>) dst(%dma_wait3A_183 : memref<262144xf32, #tpu.memory_space<vmem_shared>>)
        tpu.yield
      }) : () -> ()
      %run_scoped3A_145 = arith.constant 5 : i32
      %run_scoped3A_146 = arith.constant 5 : i32
      "tpu.region"() ({
        %run_scoped3A_169 = tpu.sem_alloc : memref<!tpu.dma_semaphore, #tpu.memory_space<semaphore_mem>>
        %dma_start3A = arith.constant 0 : i32
        %dma_start3A_170 = tpu.memref_slice %arg10[%run_scoped3A_145, %dma_start3A] : memref<16x128xf32, #tpu.memory_space<vmem>> -> memref<1x128xf32, #tpu.memory_space<vmem>>
        %dma_start3A_171 = tpu.memref_squeeze %dma_start3A_170 : memref<1x128xf32, #tpu.memory_space<vmem>> -> memref<128xf32, #tpu.memory_space<vmem>>
        %dma_start3A_172 = arith.constant 0 : i32
        %dma_start3A_173 = tpu.memref_slice %arg9[%run_scoped3A_146, %dma_start3A_172] : memref<16x128xi32, #tpu.memory_space<vmem>> -> memref<1x128xi32, #tpu.memory_space<vmem>>
        %dma_start3A_174 = tpu.memref_squeeze %dma_start3A_173 : memref<1x128xi32, #tpu.memory_space<vmem>> -> memref<128xi32, #tpu.memory_space<vmem>>
        %dma_start3A_175 = arith.constant 0 : i32
        %dma_start3A_176 = tpu.memref_slice %arg5[%dma_start3A_175] : memref<262144xf32, #tpu.memory_space<vmem_shared>> -> memref<262144xf32, #tpu.memory_space<vmem_shared>>
        tpu.enqueue_indirect_dma source(%dma_start3A_171 : memref<128xf32, #tpu.memory_space<vmem>>) target(%dma_start3A_176 : memref<262144xf32, #tpu.memory_space<vmem_shared>>) offsets(%dma_start3A_174 : memref<128xi32, #tpu.memory_space<vmem>>) semaphore(%run_scoped3A_169 : memref<!tpu.dma_semaphore, #tpu.memory_space<semaphore_mem>>) {add = true}
        %dma_wait3A = arith.constant 0 : i32
        %dma_wait3A_177 = tpu.memref_slice %arg10[%run_scoped3A_145, %dma_wait3A] : memref<16x128xf32, #tpu.memory_space<vmem>> -> memref<1x128xf32, #tpu.memory_space<vmem>>
        %dma_wait3A_178 = tpu.memref_squeeze %dma_wait3A_177 : memref<1x128xf32, #tpu.memory_space<vmem>> -> memref<128xf32, #tpu.memory_space<vmem>>
        %dma_wait3A_179 = arith.constant 0 : i32
        %dma_wait3A_180 = tpu.memref_slice %arg9[%run_scoped3A_146, %dma_wait3A_179] : memref<16x128xi32, #tpu.memory_space<vmem>> -> memref<1x128xi32, #tpu.memory_space<vmem>>
        %dma_wait3A_181 = tpu.memref_squeeze %dma_wait3A_180 : memref<1x128xi32, #tpu.memory_space<vmem>> -> memref<128xi32, #tpu.memory_space<vmem>>
        %dma_wait3A_182 = arith.constant 0 : i32
        %dma_wait3A_183 = tpu.memref_slice %arg5[%dma_wait3A_182] : memref<262144xf32, #tpu.memory_space<vmem_shared>> -> memref<262144xf32, #tpu.memory_space<vmem_shared>>
        tpu.wait_indirect_dma semaphore(%run_scoped3A_169 : memref<!tpu.dma_semaphore, #tpu.memory_space<semaphore_mem>>) src(%dma_wait3A_178 : memref<128xf32, #tpu.memory_space<vmem>>) dst(%dma_wait3A_183 : memref<262144xf32, #tpu.memory_space<vmem_shared>>)
        tpu.yield
      }) : () -> ()
      %run_scoped3A_147 = arith.constant 6 : i32
      %run_scoped3A_148 = arith.constant 6 : i32
      "tpu.region"() ({
        %run_scoped3A_169 = tpu.sem_alloc : memref<!tpu.dma_semaphore, #tpu.memory_space<semaphore_mem>>
        %dma_start3A = arith.constant 0 : i32
        %dma_start3A_170 = tpu.memref_slice %arg10[%run_scoped3A_147, %dma_start3A] : memref<16x128xf32, #tpu.memory_space<vmem>> -> memref<1x128xf32, #tpu.memory_space<vmem>>
        %dma_start3A_171 = tpu.memref_squeeze %dma_start3A_170 : memref<1x128xf32, #tpu.memory_space<vmem>> -> memref<128xf32, #tpu.memory_space<vmem>>
        %dma_start3A_172 = arith.constant 0 : i32
        %dma_start3A_173 = tpu.memref_slice %arg9[%run_scoped3A_148, %dma_start3A_172] : memref<16x128xi32, #tpu.memory_space<vmem>> -> memref<1x128xi32, #tpu.memory_space<vmem>>
        %dma_start3A_174 = tpu.memref_squeeze %dma_start3A_173 : memref<1x128xi32, #tpu.memory_space<vmem>> -> memref<128xi32, #tpu.memory_space<vmem>>
        %dma_start3A_175 = arith.constant 0 : i32
        %dma_start3A_176 = tpu.memref_slice %arg5[%dma_start3A_175] : memref<262144xf32, #tpu.memory_space<vmem_shared>> -> memref<262144xf32, #tpu.memory_space<vmem_shared>>
        tpu.enqueue_indirect_dma source(%dma_start3A_171 : memref<128xf32, #tpu.memory_space<vmem>>) target(%dma_start3A_176 : memref<262144xf32, #tpu.memory_space<vmem_shared>>) offsets(%dma_start3A_174 : memref<128xi32, #tpu.memory_space<vmem>>) semaphore(%run_scoped3A_169 : memref<!tpu.dma_semaphore, #tpu.memory_space<semaphore_mem>>) {add = true}
        %dma_wait3A = arith.constant 0 : i32
        %dma_wait3A_177 = tpu.memref_slice %arg10[%run_scoped3A_147, %dma_wait3A] : memref<16x128xf32, #tpu.memory_space<vmem>> -> memref<1x128xf32, #tpu.memory_space<vmem>>
        %dma_wait3A_178 = tpu.memref_squeeze %dma_wait3A_177 : memref<1x128xf32, #tpu.memory_space<vmem>> -> memref<128xf32, #tpu.memory_space<vmem>>
        %dma_wait3A_179 = arith.constant 0 : i32
        %dma_wait3A_180 = tpu.memref_slice %arg9[%run_scoped3A_148, %dma_wait3A_179] : memref<16x128xi32, #tpu.memory_space<vmem>> -> memref<1x128xi32, #tpu.memory_space<vmem>>
        %dma_wait3A_181 = tpu.memref_squeeze %dma_wait3A_180 : memref<1x128xi32, #tpu.memory_space<vmem>> -> memref<128xi32, #tpu.memory_space<vmem>>
        %dma_wait3A_182 = arith.constant 0 : i32
        %dma_wait3A_183 = tpu.memref_slice %arg5[%dma_wait3A_182] : memref<262144xf32, #tpu.memory_space<vmem_shared>> -> memref<262144xf32, #tpu.memory_space<vmem_shared>>
        tpu.wait_indirect_dma semaphore(%run_scoped3A_169 : memref<!tpu.dma_semaphore, #tpu.memory_space<semaphore_mem>>) src(%dma_wait3A_178 : memref<128xf32, #tpu.memory_space<vmem>>) dst(%dma_wait3A_183 : memref<262144xf32, #tpu.memory_space<vmem_shared>>)
        tpu.yield
      }) : () -> ()
      %run_scoped3A_149 = arith.constant 7 : i32
      %run_scoped3A_150 = arith.constant 7 : i32
      "tpu.region"() ({
        %run_scoped3A_169 = tpu.sem_alloc : memref<!tpu.dma_semaphore, #tpu.memory_space<semaphore_mem>>
        %dma_start3A = arith.constant 0 : i32
        %dma_start3A_170 = tpu.memref_slice %arg10[%run_scoped3A_149, %dma_start3A] : memref<16x128xf32, #tpu.memory_space<vmem>> -> memref<1x128xf32, #tpu.memory_space<vmem>>
        %dma_start3A_171 = tpu.memref_squeeze %dma_start3A_170 : memref<1x128xf32, #tpu.memory_space<vmem>> -> memref<128xf32, #tpu.memory_space<vmem>>
        %dma_start3A_172 = arith.constant 0 : i32
        %dma_start3A_173 = tpu.memref_slice %arg9[%run_scoped3A_150, %dma_start3A_172] : memref<16x128xi32, #tpu.memory_space<vmem>> -> memref<1x128xi32, #tpu.memory_space<vmem>>
        %dma_start3A_174 = tpu.memref_squeeze %dma_start3A_173 : memref<1x128xi32, #tpu.memory_space<vmem>> -> memref<128xi32, #tpu.memory_space<vmem>>
        %dma_start3A_175 = arith.constant 0 : i32
        %dma_start3A_176 = tpu.memref_slice %arg5[%dma_start3A_175] : memref<262144xf32, #tpu.memory_space<vmem_shared>> -> memref<262144xf32, #tpu.memory_space<vmem_shared>>
        tpu.enqueue_indirect_dma source(%dma_start3A_171 : memref<128xf32, #tpu.memory_space<vmem>>) target(%dma_start3A_176 : memref<262144xf32, #tpu.memory_space<vmem_shared>>) offsets(%dma_start3A_174 : memref<128xi32, #tpu.memory_space<vmem>>) semaphore(%run_scoped3A_169 : memref<!tpu.dma_semaphore, #tpu.memory_space<semaphore_mem>>) {add = true}
        %dma_wait3A = arith.constant 0 : i32
        %dma_wait3A_177 = tpu.memref_slice %arg10[%run_scoped3A_149, %dma_wait3A] : memref<16x128xf32, #tpu.memory_space<vmem>> -> memref<1x128xf32, #tpu.memory_space<vmem>>
        %dma_wait3A_178 = tpu.memref_squeeze %dma_wait3A_177 : memref<1x128xf32, #tpu.memory_space<vmem>> -> memref<128xf32, #tpu.memory_space<vmem>>
        %dma_wait3A_179 = arith.constant 0 : i32
        %dma_wait3A_180 = tpu.memref_slice %arg9[%run_scoped3A_150, %dma_wait3A_179] : memref<16x128xi32, #tpu.memory_space<vmem>> -> memref<1x128xi32, #tpu.memory_space<vmem>>
        %dma_wait3A_181 = tpu.memref_squeeze %dma_wait3A_180 : memref<1x128xi32, #tpu.memory_space<vmem>> -> memref<128xi32, #tpu.memory_space<vmem>>
        %dma_wait3A_182 = arith.constant 0 : i32
        %dma_wait3A_183 = tpu.memref_slice %arg5[%dma_wait3A_182] : memref<262144xf32, #tpu.memory_space<vmem_shared>> -> memref<262144xf32, #tpu.memory_space<vmem_shared>>
        tpu.wait_indirect_dma semaphore(%run_scoped3A_169 : memref<!tpu.dma_semaphore, #tpu.memory_space<semaphore_mem>>) src(%dma_wait3A_178 : memref<128xf32, #tpu.memory_space<vmem>>) dst(%dma_wait3A_183 : memref<262144xf32, #tpu.memory_space<vmem_shared>>)
        tpu.yield
      }) : () -> ()
      %run_scoped3A_151 = arith.constant 8 : i32
      %run_scoped3A_152 = arith.constant 8 : i32
      "tpu.region"() ({
        %run_scoped3A_169 = tpu.sem_alloc : memref<!tpu.dma_semaphore, #tpu.memory_space<semaphore_mem>>
        %dma_start3A = arith.constant 0 : i32
        %dma_start3A_170 = tpu.memref_slice %arg10[%run_scoped3A_151, %dma_start3A] : memref<16x128xf32, #tpu.memory_space<vmem>> -> memref<1x128xf32, #tpu.memory_space<vmem>>
        %dma_start3A_171 = tpu.memref_squeeze %dma_start3A_170 : memref<1x128xf32, #tpu.memory_space<vmem>> -> memref<128xf32, #tpu.memory_space<vmem>>
        %dma_start3A_172 = arith.constant 0 : i32
        %dma_start3A_173 = tpu.memref_slice %arg9[%run_scoped3A_152, %dma_start3A_172] : memref<16x128xi32, #tpu.memory_space<vmem>> -> memref<1x128xi32, #tpu.memory_space<vmem>>
        %dma_start3A_174 = tpu.memref_squeeze %dma_start3A_173 : memref<1x128xi32, #tpu.memory_space<vmem>> -> memref<128xi32, #tpu.memory_space<vmem>>
        %dma_start3A_175 = arith.constant 0 : i32
        %dma_start3A_176 = tpu.memref_slice %arg5[%dma_start3A_175] : memref<262144xf32, #tpu.memory_space<vmem_shared>> -> memref<262144xf32, #tpu.memory_space<vmem_shared>>
        tpu.enqueue_indirect_dma source(%dma_start3A_171 : memref<128xf32, #tpu.memory_space<vmem>>) target(%dma_start3A_176 : memref<262144xf32, #tpu.memory_space<vmem_shared>>) offsets(%dma_start3A_174 : memref<128xi32, #tpu.memory_space<vmem>>) semaphore(%run_scoped3A_169 : memref<!tpu.dma_semaphore, #tpu.memory_space<semaphore_mem>>) {add = true}
        %dma_wait3A = arith.constant 0 : i32
        %dma_wait3A_177 = tpu.memref_slice %arg10[%run_scoped3A_151, %dma_wait3A] : memref<16x128xf32, #tpu.memory_space<vmem>> -> memref<1x128xf32, #tpu.memory_space<vmem>>
        %dma_wait3A_178 = tpu.memref_squeeze %dma_wait3A_177 : memref<1x128xf32, #tpu.memory_space<vmem>> -> memref<128xf32, #tpu.memory_space<vmem>>
        %dma_wait3A_179 = arith.constant 0 : i32
        %dma_wait3A_180 = tpu.memref_slice %arg9[%run_scoped3A_152, %dma_wait3A_179] : memref<16x128xi32, #tpu.memory_space<vmem>> -> memref<1x128xi32, #tpu.memory_space<vmem>>
        %dma_wait3A_181 = tpu.memref_squeeze %dma_wait3A_180 : memref<1x128xi32, #tpu.memory_space<vmem>> -> memref<128xi32, #tpu.memory_space<vmem>>
        %dma_wait3A_182 = arith.constant 0 : i32
        %dma_wait3A_183 = tpu.memref_slice %arg5[%dma_wait3A_182] : memref<262144xf32, #tpu.memory_space<vmem_shared>> -> memref<262144xf32, #tpu.memory_space<vmem_shared>>
        tpu.wait_indirect_dma semaphore(%run_scoped3A_169 : memref<!tpu.dma_semaphore, #tpu.memory_space<semaphore_mem>>) src(%dma_wait3A_178 : memref<128xf32, #tpu.memory_space<vmem>>) dst(%dma_wait3A_183 : memref<262144xf32, #tpu.memory_space<vmem_shared>>)
        tpu.yield
      }) : () -> ()
      %run_scoped3A_153 = arith.constant 9 : i32
      %run_scoped3A_154 = arith.constant 9 : i32
      "tpu.region"() ({
        %run_scoped3A_169 = tpu.sem_alloc : memref<!tpu.dma_semaphore, #tpu.memory_space<semaphore_mem>>
        %dma_start3A = arith.constant 0 : i32
        %dma_start3A_170 = tpu.memref_slice %arg10[%run_scoped3A_153, %dma_start3A] : memref<16x128xf32, #tpu.memory_space<vmem>> -> memref<1x128xf32, #tpu.memory_space<vmem>>
        %dma_start3A_171 = tpu.memref_squeeze %dma_start3A_170 : memref<1x128xf32, #tpu.memory_space<vmem>> -> memref<128xf32, #tpu.memory_space<vmem>>
        %dma_start3A_172 = arith.constant 0 : i32
        %dma_start3A_173 = tpu.memref_slice %arg9[%run_scoped3A_154, %dma_start3A_172] : memref<16x128xi32, #tpu.memory_space<vmem>> -> memref<1x128xi32, #tpu.memory_space<vmem>>
        %dma_start3A_174 = tpu.memref_squeeze %dma_start3A_173 : memref<1x128xi32, #tpu.memory_space<vmem>> -> memref<128xi32, #tpu.memory_space<vmem>>
        %dma_start3A_175 = arith.constant 0 : i32
        %dma_start3A_176 = tpu.memref_slice %arg5[%dma_start3A_175] : memref<262144xf32, #tpu.memory_space<vmem_shared>> -> memref<262144xf32, #tpu.memory_space<vmem_shared>>
        tpu.enqueue_indirect_dma source(%dma_start3A_171 : memref<128xf32, #tpu.memory_space<vmem>>) target(%dma_start3A_176 : memref<262144xf32, #tpu.memory_space<vmem_shared>>) offsets(%dma_start3A_174 : memref<128xi32, #tpu.memory_space<vmem>>) semaphore(%run_scoped3A_169 : memref<!tpu.dma_semaphore, #tpu.memory_space<semaphore_mem>>) {add = true}
        %dma_wait3A = arith.constant 0 : i32
        %dma_wait3A_177 = tpu.memref_slice %arg10[%run_scoped3A_153, %dma_wait3A] : memref<16x128xf32, #tpu.memory_space<vmem>> -> memref<1x128xf32, #tpu.memory_space<vmem>>
        %dma_wait3A_178 = tpu.memref_squeeze %dma_wait3A_177 : memref<1x128xf32, #tpu.memory_space<vmem>> -> memref<128xf32, #tpu.memory_space<vmem>>
        %dma_wait3A_179 = arith.constant 0 : i32
        %dma_wait3A_180 = tpu.memref_slice %arg9[%run_scoped3A_154, %dma_wait3A_179] : memref<16x128xi32, #tpu.memory_space<vmem>> -> memref<1x128xi32, #tpu.memory_space<vmem>>
        %dma_wait3A_181 = tpu.memref_squeeze %dma_wait3A_180 : memref<1x128xi32, #tpu.memory_space<vmem>> -> memref<128xi32, #tpu.memory_space<vmem>>
        %dma_wait3A_182 = arith.constant 0 : i32
        %dma_wait3A_183 = tpu.memref_slice %arg5[%dma_wait3A_182] : memref<262144xf32, #tpu.memory_space<vmem_shared>> -> memref<262144xf32, #tpu.memory_space<vmem_shared>>
        tpu.wait_indirect_dma semaphore(%run_scoped3A_169 : memref<!tpu.dma_semaphore, #tpu.memory_space<semaphore_mem>>) src(%dma_wait3A_178 : memref<128xf32, #tpu.memory_space<vmem>>) dst(%dma_wait3A_183 : memref<262144xf32, #tpu.memory_space<vmem_shared>>)
        tpu.yield
      }) : () -> ()
      %run_scoped3A_155 = arith.constant 10 : i32
      %run_scoped3A_156 = arith.constant 10 : i32
      "tpu.region"() ({
        %run_scoped3A_169 = tpu.sem_alloc : memref<!tpu.dma_semaphore, #tpu.memory_space<semaphore_mem>>
        %dma_start3A = arith.constant 0 : i32
        %dma_start3A_170 = tpu.memref_slice %arg10[%run_scoped3A_155, %dma_start3A] : memref<16x128xf32, #tpu.memory_space<vmem>> -> memref<1x128xf32, #tpu.memory_space<vmem>>
        %dma_start3A_171 = tpu.memref_squeeze %dma_start3A_170 : memref<1x128xf32, #tpu.memory_space<vmem>> -> memref<128xf32, #tpu.memory_space<vmem>>
        %dma_start3A_172 = arith.constant 0 : i32
        %dma_start3A_173 = tpu.memref_slice %arg9[%run_scoped3A_156, %dma_start3A_172] : memref<16x128xi32, #tpu.memory_space<vmem>> -> memref<1x128xi32, #tpu.memory_space<vmem>>
        %dma_start3A_174 = tpu.memref_squeeze %dma_start3A_173 : memref<1x128xi32, #tpu.memory_space<vmem>> -> memref<128xi32, #tpu.memory_space<vmem>>
        %dma_start3A_175 = arith.constant 0 : i32
        %dma_start3A_176 = tpu.memref_slice %arg5[%dma_start3A_175] : memref<262144xf32, #tpu.memory_space<vmem_shared>> -> memref<262144xf32, #tpu.memory_space<vmem_shared>>
        tpu.enqueue_indirect_dma source(%dma_start3A_171 : memref<128xf32, #tpu.memory_space<vmem>>) target(%dma_start3A_176 : memref<262144xf32, #tpu.memory_space<vmem_shared>>) offsets(%dma_start3A_174 : memref<128xi32, #tpu.memory_space<vmem>>) semaphore(%run_scoped3A_169 : memref<!tpu.dma_semaphore, #tpu.memory_space<semaphore_mem>>) {add = true}
        %dma_wait3A = arith.constant 0 : i32
        %dma_wait3A_177 = tpu.memref_slice %arg10[%run_scoped3A_155, %dma_wait3A] : memref<16x128xf32, #tpu.memory_space<vmem>> -> memref<1x128xf32, #tpu.memory_space<vmem>>
        %dma_wait3A_178 = tpu.memref_squeeze %dma_wait3A_177 : memref<1x128xf32, #tpu.memory_space<vmem>> -> memref<128xf32, #tpu.memory_space<vmem>>
        %dma_wait3A_179 = arith.constant 0 : i32
        %dma_wait3A_180 = tpu.memref_slice %arg9[%run_scoped3A_156, %dma_wait3A_179] : memref<16x128xi32, #tpu.memory_space<vmem>> -> memref<1x128xi32, #tpu.memory_space<vmem>>
        %dma_wait3A_181 = tpu.memref_squeeze %dma_wait3A_180 : memref<1x128xi32, #tpu.memory_space<vmem>> -> memref<128xi32, #tpu.memory_space<vmem>>
        %dma_wait3A_182 = arith.constant 0 : i32
        %dma_wait3A_183 = tpu.memref_slice %arg5[%dma_wait3A_182] : memref<262144xf32, #tpu.memory_space<vmem_shared>> -> memref<262144xf32, #tpu.memory_space<vmem_shared>>
        tpu.wait_indirect_dma semaphore(%run_scoped3A_169 : memref<!tpu.dma_semaphore, #tpu.memory_space<semaphore_mem>>) src(%dma_wait3A_178 : memref<128xf32, #tpu.memory_space<vmem>>) dst(%dma_wait3A_183 : memref<262144xf32, #tpu.memory_space<vmem_shared>>)
        tpu.yield
      }) : () -> ()
      %run_scoped3A_157 = arith.constant 11 : i32
      %run_scoped3A_158 = arith.constant 11 : i32
      "tpu.region"() ({
        %run_scoped3A_169 = tpu.sem_alloc : memref<!tpu.dma_semaphore, #tpu.memory_space<semaphore_mem>>
        %dma_start3A = arith.constant 0 : i32
        %dma_start3A_170 = tpu.memref_slice %arg10[%run_scoped3A_157, %dma_start3A] : memref<16x128xf32, #tpu.memory_space<vmem>> -> memref<1x128xf32, #tpu.memory_space<vmem>>
        %dma_start3A_171 = tpu.memref_squeeze %dma_start3A_170 : memref<1x128xf32, #tpu.memory_space<vmem>> -> memref<128xf32, #tpu.memory_space<vmem>>
        %dma_start3A_172 = arith.constant 0 : i32
        %dma_start3A_173 = tpu.memref_slice %arg9[%run_scoped3A_158, %dma_start3A_172] : memref<16x128xi32, #tpu.memory_space<vmem>> -> memref<1x128xi32, #tpu.memory_space<vmem>>
        %dma_start3A_174 = tpu.memref_squeeze %dma_start3A_173 : memref<1x128xi32, #tpu.memory_space<vmem>> -> memref<128xi32, #tpu.memory_space<vmem>>
        %dma_start3A_175 = arith.constant 0 : i32
        %dma_start3A_176 = tpu.memref_slice %arg5[%dma_start3A_175] : memref<262144xf32, #tpu.memory_space<vmem_shared>> -> memref<262144xf32, #tpu.memory_space<vmem_shared>>
        tpu.enqueue_indirect_dma source(%dma_start3A_171 : memref<128xf32, #tpu.memory_space<vmem>>) target(%dma_start3A_176 : memref<262144xf32, #tpu.memory_space<vmem_shared>>) offsets(%dma_start3A_174 : memref<128xi32, #tpu.memory_space<vmem>>) semaphore(%run_scoped3A_169 : memref<!tpu.dma_semaphore, #tpu.memory_space<semaphore_mem>>) {add = true}
        %dma_wait3A = arith.constant 0 : i32
        %dma_wait3A_177 = tpu.memref_slice %arg10[%run_scoped3A_157, %dma_wait3A] : memref<16x128xf32, #tpu.memory_space<vmem>> -> memref<1x128xf32, #tpu.memory_space<vmem>>
        %dma_wait3A_178 = tpu.memref_squeeze %dma_wait3A_177 : memref<1x128xf32, #tpu.memory_space<vmem>> -> memref<128xf32, #tpu.memory_space<vmem>>
        %dma_wait3A_179 = arith.constant 0 : i32
        %dma_wait3A_180 = tpu.memref_slice %arg9[%run_scoped3A_158, %dma_wait3A_179] : memref<16x128xi32, #tpu.memory_space<vmem>> -> memref<1x128xi32, #tpu.memory_space<vmem>>
        %dma_wait3A_181 = tpu.memref_squeeze %dma_wait3A_180 : memref<1x128xi32, #tpu.memory_space<vmem>> -> memref<128xi32, #tpu.memory_space<vmem>>
        %dma_wait3A_182 = arith.constant 0 : i32
        %dma_wait3A_183 = tpu.memref_slice %arg5[%dma_wait3A_182] : memref<262144xf32, #tpu.memory_space<vmem_shared>> -> memref<262144xf32, #tpu.memory_space<vmem_shared>>
        tpu.wait_indirect_dma semaphore(%run_scoped3A_169 : memref<!tpu.dma_semaphore, #tpu.memory_space<semaphore_mem>>) src(%dma_wait3A_178 : memref<128xf32, #tpu.memory_space<vmem>>) dst(%dma_wait3A_183 : memref<262144xf32, #tpu.memory_space<vmem_shared>>)
        tpu.yield
      }) : () -> ()
      %run_scoped3A_159 = arith.constant 12 : i32
      %run_scoped3A_160 = arith.constant 12 : i32
      "tpu.region"() ({
        %run_scoped3A_169 = tpu.sem_alloc : memref<!tpu.dma_semaphore, #tpu.memory_space<semaphore_mem>>
        %dma_start3A = arith.constant 0 : i32
        %dma_start3A_170 = tpu.memref_slice %arg10[%run_scoped3A_159, %dma_start3A] : memref<16x128xf32, #tpu.memory_space<vmem>> -> memref<1x128xf32, #tpu.memory_space<vmem>>
        %dma_start3A_171 = tpu.memref_squeeze %dma_start3A_170 : memref<1x128xf32, #tpu.memory_space<vmem>> -> memref<128xf32, #tpu.memory_space<vmem>>
        %dma_start3A_172 = arith.constant 0 : i32
        %dma_start3A_173 = tpu.memref_slice %arg9[%run_scoped3A_160, %dma_start3A_172] : memref<16x128xi32, #tpu.memory_space<vmem>> -> memref<1x128xi32, #tpu.memory_space<vmem>>
        %dma_start3A_174 = tpu.memref_squeeze %dma_start3A_173 : memref<1x128xi32, #tpu.memory_space<vmem>> -> memref<128xi32, #tpu.memory_space<vmem>>
        %dma_start3A_175 = arith.constant 0 : i32
        %dma_start3A_176 = tpu.memref_slice %arg5[%dma_start3A_175] : memref<262144xf32, #tpu.memory_space<vmem_shared>> -> memref<262144xf32, #tpu.memory_space<vmem_shared>>
        tpu.enqueue_indirect_dma source(%dma_start3A_171 : memref<128xf32, #tpu.memory_space<vmem>>) target(%dma_start3A_176 : memref<262144xf32, #tpu.memory_space<vmem_shared>>) offsets(%dma_start3A_174 : memref<128xi32, #tpu.memory_space<vmem>>) semaphore(%run_scoped3A_169 : memref<!tpu.dma_semaphore, #tpu.memory_space<semaphore_mem>>) {add = true}
        %dma_wait3A = arith.constant 0 : i32
        %dma_wait3A_177 = tpu.memref_slice %arg10[%run_scoped3A_159, %dma_wait3A] : memref<16x128xf32, #tpu.memory_space<vmem>> -> memref<1x128xf32, #tpu.memory_space<vmem>>
        %dma_wait3A_178 = tpu.memref_squeeze %dma_wait3A_177 : memref<1x128xf32, #tpu.memory_space<vmem>> -> memref<128xf32, #tpu.memory_space<vmem>>
        %dma_wait3A_179 = arith.constant 0 : i32
        %dma_wait3A_180 = tpu.memref_slice %arg9[%run_scoped3A_160, %dma_wait3A_179] : memref<16x128xi32, #tpu.memory_space<vmem>> -> memref<1x128xi32, #tpu.memory_space<vmem>>
        %dma_wait3A_181 = tpu.memref_squeeze %dma_wait3A_180 : memref<1x128xi32, #tpu.memory_space<vmem>> -> memref<128xi32, #tpu.memory_space<vmem>>
        %dma_wait3A_182 = arith.constant 0 : i32
        %dma_wait3A_183 = tpu.memref_slice %arg5[%dma_wait3A_182] : memref<262144xf32, #tpu.memory_space<vmem_shared>> -> memref<262144xf32, #tpu.memory_space<vmem_shared>>
        tpu.wait_indirect_dma semaphore(%run_scoped3A_169 : memref<!tpu.dma_semaphore, #tpu.memory_space<semaphore_mem>>) src(%dma_wait3A_178 : memref<128xf32, #tpu.memory_space<vmem>>) dst(%dma_wait3A_183 : memref<262144xf32, #tpu.memory_space<vmem_shared>>)
        tpu.yield
      }) : () -> ()
      %run_scoped3A_161 = arith.constant 13 : i32
      %run_scoped3A_162 = arith.constant 13 : i32
      "tpu.region"() ({
        %run_scoped3A_169 = tpu.sem_alloc : memref<!tpu.dma_semaphore, #tpu.memory_space<semaphore_mem>>
        %dma_start3A = arith.constant 0 : i32
        %dma_start3A_170 = tpu.memref_slice %arg10[%run_scoped3A_161, %dma_start3A] : memref<16x128xf32, #tpu.memory_space<vmem>> -> memref<1x128xf32, #tpu.memory_space<vmem>>
        %dma_start3A_171 = tpu.memref_squeeze %dma_start3A_170 : memref<1x128xf32, #tpu.memory_space<vmem>> -> memref<128xf32, #tpu.memory_space<vmem>>
        %dma_start3A_172 = arith.constant 0 : i32
        %dma_start3A_173 = tpu.memref_slice %arg9[%run_scoped3A_162, %dma_start3A_172] : memref<16x128xi32, #tpu.memory_space<vmem>> -> memref<1x128xi32, #tpu.memory_space<vmem>>
        %dma_start3A_174 = tpu.memref_squeeze %dma_start3A_173 : memref<1x128xi32, #tpu.memory_space<vmem>> -> memref<128xi32, #tpu.memory_space<vmem>>
        %dma_start3A_175 = arith.constant 0 : i32
        %dma_start3A_176 = tpu.memref_slice %arg5[%dma_start3A_175] : memref<262144xf32, #tpu.memory_space<vmem_shared>> -> memref<262144xf32, #tpu.memory_space<vmem_shared>>
        tpu.enqueue_indirect_dma source(%dma_start3A_171 : memref<128xf32, #tpu.memory_space<vmem>>) target(%dma_start3A_176 : memref<262144xf32, #tpu.memory_space<vmem_shared>>) offsets(%dma_start3A_174 : memref<128xi32, #tpu.memory_space<vmem>>) semaphore(%run_scoped3A_169 : memref<!tpu.dma_semaphore, #tpu.memory_space<semaphore_mem>>) {add = true}
        %dma_wait3A = arith.constant 0 : i32
        %dma_wait3A_177 = tpu.memref_slice %arg10[%run_scoped3A_161, %dma_wait3A] : memref<16x128xf32, #tpu.memory_space<vmem>> -> memref<1x128xf32, #tpu.memory_space<vmem>>
        %dma_wait3A_178 = tpu.memref_squeeze %dma_wait3A_177 : memref<1x128xf32, #tpu.memory_space<vmem>> -> memref<128xf32, #tpu.memory_space<vmem>>
        %dma_wait3A_179 = arith.constant 0 : i32
        %dma_wait3A_180 = tpu.memref_slice %arg9[%run_scoped3A_162, %dma_wait3A_179] : memref<16x128xi32, #tpu.memory_space<vmem>> -> memref<1x128xi32, #tpu.memory_space<vmem>>
        %dma_wait3A_181 = tpu.memref_squeeze %dma_wait3A_180 : memref<1x128xi32, #tpu.memory_space<vmem>> -> memref<128xi32, #tpu.memory_space<vmem>>
        %dma_wait3A_182 = arith.constant 0 : i32
        %dma_wait3A_183 = tpu.memref_slice %arg5[%dma_wait3A_182] : memref<262144xf32, #tpu.memory_space<vmem_shared>> -> memref<262144xf32, #tpu.memory_space<vmem_shared>>
        tpu.wait_indirect_dma semaphore(%run_scoped3A_169 : memref<!tpu.dma_semaphore, #tpu.memory_space<semaphore_mem>>) src(%dma_wait3A_178 : memref<128xf32, #tpu.memory_space<vmem>>) dst(%dma_wait3A_183 : memref<262144xf32, #tpu.memory_space<vmem_shared>>)
        tpu.yield
      }) : () -> ()
      %run_scoped3A_163 = arith.constant 14 : i32
      %run_scoped3A_164 = arith.constant 14 : i32
      "tpu.region"() ({
        %run_scoped3A_169 = tpu.sem_alloc : memref<!tpu.dma_semaphore, #tpu.memory_space<semaphore_mem>>
        %dma_start3A = arith.constant 0 : i32
        %dma_start3A_170 = tpu.memref_slice %arg10[%run_scoped3A_163, %dma_start3A] : memref<16x128xf32, #tpu.memory_space<vmem>> -> memref<1x128xf32, #tpu.memory_space<vmem>>
        %dma_start3A_171 = tpu.memref_squeeze %dma_start3A_170 : memref<1x128xf32, #tpu.memory_space<vmem>> -> memref<128xf32, #tpu.memory_space<vmem>>
        %dma_start3A_172 = arith.constant 0 : i32
        %dma_start3A_173 = tpu.memref_slice %arg9[%run_scoped3A_164, %dma_start3A_172] : memref<16x128xi32, #tpu.memory_space<vmem>> -> memref<1x128xi32, #tpu.memory_space<vmem>>
        %dma_start3A_174 = tpu.memref_squeeze %dma_start3A_173 : memref<1x128xi32, #tpu.memory_space<vmem>> -> memref<128xi32, #tpu.memory_space<vmem>>
        %dma_start3A_175 = arith.constant 0 : i32
        %dma_start3A_176 = tpu.memref_slice %arg5[%dma_start3A_175] : memref<262144xf32, #tpu.memory_space<vmem_shared>> -> memref<262144xf32, #tpu.memory_space<vmem_shared>>
        tpu.enqueue_indirect_dma source(%dma_start3A_171 : memref<128xf32, #tpu.memory_space<vmem>>) target(%dma_start3A_176 : memref<262144xf32, #tpu.memory_space<vmem_shared>>) offsets(%dma_start3A_174 : memref<128xi32, #tpu.memory_space<vmem>>) semaphore(%run_scoped3A_169 : memref<!tpu.dma_semaphore, #tpu.memory_space<semaphore_mem>>) {add = true}
        %dma_wait3A = arith.constant 0 : i32
        %dma_wait3A_177 = tpu.memref_slice %arg10[%run_scoped3A_163, %dma_wait3A] : memref<16x128xf32, #tpu.memory_space<vmem>> -> memref<1x128xf32, #tpu.memory_space<vmem>>
        %dma_wait3A_178 = tpu.memref_squeeze %dma_wait3A_177 : memref<1x128xf32, #tpu.memory_space<vmem>> -> memref<128xf32, #tpu.memory_space<vmem>>
        %dma_wait3A_179 = arith.constant 0 : i32
        %dma_wait3A_180 = tpu.memref_slice %arg9[%run_scoped3A_164, %dma_wait3A_179] : memref<16x128xi32, #tpu.memory_space<vmem>> -> memref<1x128xi32, #tpu.memory_space<vmem>>
        %dma_wait3A_181 = tpu.memref_squeeze %dma_wait3A_180 : memref<1x128xi32, #tpu.memory_space<vmem>> -> memref<128xi32, #tpu.memory_space<vmem>>
        %dma_wait3A_182 = arith.constant 0 : i32
        %dma_wait3A_183 = tpu.memref_slice %arg5[%dma_wait3A_182] : memref<262144xf32, #tpu.memory_space<vmem_shared>> -> memref<262144xf32, #tpu.memory_space<vmem_shared>>
        tpu.wait_indirect_dma semaphore(%run_scoped3A_169 : memref<!tpu.dma_semaphore, #tpu.memory_space<semaphore_mem>>) src(%dma_wait3A_178 : memref<128xf32, #tpu.memory_space<vmem>>) dst(%dma_wait3A_183 : memref<262144xf32, #tpu.memory_space<vmem_shared>>)
        tpu.yield
      }) : () -> ()
      %run_scoped3A_165 = arith.constant 15 : i32
      %run_scoped3A_166 = arith.constant 15 : i32
      "tpu.region"() ({
        %run_scoped3A_169 = tpu.sem_alloc : memref<!tpu.dma_semaphore, #tpu.memory_space<semaphore_mem>>
        %dma_start3A = arith.constant 0 : i32
        %dma_start3A_170 = tpu.memref_slice %arg10[%run_scoped3A_165, %dma_start3A] : memref<16x128xf32, #tpu.memory_space<vmem>> -> memref<1x128xf32, #tpu.memory_space<vmem>>
        %dma_start3A_171 = tpu.memref_squeeze %dma_start3A_170 : memref<1x128xf32, #tpu.memory_space<vmem>> -> memref<128xf32, #tpu.memory_space<vmem>>
        %dma_start3A_172 = arith.constant 0 : i32
        %dma_start3A_173 = tpu.memref_slice %arg9[%run_scoped3A_166, %dma_start3A_172] : memref<16x128xi32, #tpu.memory_space<vmem>> -> memref<1x128xi32, #tpu.memory_space<vmem>>
        %dma_start3A_174 = tpu.memref_squeeze %dma_start3A_173 : memref<1x128xi32, #tpu.memory_space<vmem>> -> memref<128xi32, #tpu.memory_space<vmem>>
        %dma_start3A_175 = arith.constant 0 : i32
        %dma_start3A_176 = tpu.memref_slice %arg5[%dma_start3A_175] : memref<262144xf32, #tpu.memory_space<vmem_shared>> -> memref<262144xf32, #tpu.memory_space<vmem_shared>>
        tpu.enqueue_indirect_dma source(%dma_start3A_171 : memref<128xf32, #tpu.memory_space<vmem>>) target(%dma_start3A_176 : memref<262144xf32, #tpu.memory_space<vmem_shared>>) offsets(%dma_start3A_174 : memref<128xi32, #tpu.memory_space<vmem>>) semaphore(%run_scoped3A_169 : memref<!tpu.dma_semaphore, #tpu.memory_space<semaphore_mem>>) {add = true}
        %dma_wait3A = arith.constant 0 : i32
        %dma_wait3A_177 = tpu.memref_slice %arg10[%run_scoped3A_165, %dma_wait3A] : memref<16x128xf32, #tpu.memory_space<vmem>> -> memref<1x128xf32, #tpu.memory_space<vmem>>
        %dma_wait3A_178 = tpu.memref_squeeze %dma_wait3A_177 : memref<1x128xf32, #tpu.memory_space<vmem>> -> memref<128xf32, #tpu.memory_space<vmem>>
        %dma_wait3A_179 = arith.constant 0 : i32
        %dma_wait3A_180 = tpu.memref_slice %arg9[%run_scoped3A_166, %dma_wait3A_179] : memref<16x128xi32, #tpu.memory_space<vmem>> -> memref<1x128xi32, #tpu.memory_space<vmem>>
        %dma_wait3A_181 = tpu.memref_squeeze %dma_wait3A_180 : memref<1x128xi32, #tpu.memory_space<vmem>> -> memref<128xi32, #tpu.memory_space<vmem>>
        %dma_wait3A_182 = arith.constant 0 : i32
        %dma_wait3A_183 = tpu.memref_slice %arg5[%dma_wait3A_182] : memref<262144xf32, #tpu.memory_space<vmem_shared>> -> memref<262144xf32, #tpu.memory_space<vmem_shared>>
        tpu.wait_indirect_dma semaphore(%run_scoped3A_169 : memref<!tpu.dma_semaphore, #tpu.memory_space<semaphore_mem>>) src(%dma_wait3A_178 : memref<128xf32, #tpu.memory_space<vmem>>) dst(%dma_wait3A_183 : memref<262144xf32, #tpu.memory_space<vmem_shared>>)
        tpu.yield
      }) : () -> ()
      %barrier3A_167 = arith.constant 0 : index
      tpu.barrier barrier_id(%barrier3A_167)
      "tpu.region"() ({
        %run_scoped3A_169 = tpu.sem_alloc : memref<!tpu.dma_semaphore, #tpu.memory_space<semaphore_mem>>
        %dma_start3A = tpu.memref_slice %arg4[%add3A, %mul3A_0] : memref<128x262144xf32, #tpu.memory_space<hbm>> -> memref<1x16384xf32, #tpu.memory_space<hbm>>
        %dma_start3A_170 = tpu.memref_squeeze %dma_start3A : memref<1x16384xf32, #tpu.memory_space<hbm>> -> memref<16384xf32, #tpu.memory_space<hbm>>
        %dma_start3A_171 = tpu.memref_slice %arg5[%mul3A_0] : memref<262144xf32, #tpu.memory_space<vmem_shared>> -> memref<16384xf32, #tpu.memory_space<vmem_shared>>
        tpu.enqueue_dma source(%dma_start3A_171 : memref<16384xf32, #tpu.memory_space<vmem_shared>>) target(%dma_start3A_170 : memref<16384xf32, #tpu.memory_space<hbm>>) target_semaphore(%run_scoped3A_169 : memref<!tpu.dma_semaphore, #tpu.memory_space<semaphore_mem>>)
        %dma_wait3A = tpu.memref_slice %arg4[%add3A, %mul3A_0] : memref<128x262144xf32, #tpu.memory_space<hbm>> -> memref<1x16384xf32, #tpu.memory_space<hbm>>
        %dma_wait3A_172 = tpu.memref_squeeze %dma_wait3A : memref<1x16384xf32, #tpu.memory_space<hbm>> -> memref<16384xf32, #tpu.memory_space<hbm>>
        %dma_wait3A_173 = tpu.memref_slice %arg5[%mul3A_0] : memref<262144xf32, #tpu.memory_space<vmem_shared>> -> memref<16384xf32, #tpu.memory_space<vmem_shared>>
        tpu.wait_dma2 semaphore(%run_scoped3A_169 : memref<!tpu.dma_semaphore, #tpu.memory_space<semaphore_mem>>) src(%dma_wait3A_173 : memref<16384xf32, #tpu.memory_space<vmem_shared>>) dst(%dma_wait3A_172 : memref<16384xf32, #tpu.memory_space<hbm>>)
        tpu.yield
      }) : () -> ()
      "tpu.region"() ({
        %run_scoped3A_169 = tpu.sem_alloc : memref<!tpu.dma_semaphore, #tpu.memory_space<semaphore_mem>>
        %dma_start3A = tpu.memref_slice %arg5[%mul3A_0] : memref<262144xf32, #tpu.memory_space<vmem_shared>> -> memref<16384xf32, #tpu.memory_space<vmem_shared>>
        %dma_start3A_170 = tpu.memref_slice %arg5[%mul3A_0] : memref<262144xf32, #tpu.memory_space<vmem_shared>> -> memref<16384xf32, #tpu.memory_space<vmem_shared>>
        tpu.enqueue_dma source(%arg11 : memref<16384xf32, #tpu.memory_space<vmem>>) target(%dma_start3A_170 : memref<16384xf32, #tpu.memory_space<vmem_shared>>) target_semaphore(%run_scoped3A_169 : memref<!tpu.dma_semaphore, #tpu.memory_space<semaphore_mem>>)
        %dma_wait3A = tpu.memref_slice %arg5[%mul3A_0] : memref<262144xf32, #tpu.memory_space<vmem_shared>> -> memref<16384xf32, #tpu.memory_space<vmem_shared>>
        %dma_wait3A_171 = tpu.memref_slice %arg5[%mul3A_0] : memref<262144xf32, #tpu.memory_space<vmem_shared>> -> memref<16384xf32, #tpu.memory_space<vmem_shared>>
        tpu.wait_dma2 semaphore(%run_scoped3A_169 : memref<!tpu.dma_semaphore, #tpu.memory_space<semaphore_mem>>) src(%arg11 : memref<16384xf32, #tpu.memory_space<vmem>>) dst(%dma_wait3A_171 : memref<16384xf32, #tpu.memory_space<vmem_shared>>)
        tpu.yield
      }) : () -> ()
      %scan3A_168 = arith.constant 0 : i32
      scf.yield %scan3A_168 : i32
    }
    %scan3A_19 = arith.constant 64 : i32
    return
  }
}

</mosaic_0001>

<sc_bundles>
// kernel: kernel.3.cloned.1.call-start
scs
__scs_entry_jumppad:
0x0: {  	(pc) =	sbr.rel $0x88, $3  }
0x1: {  	(tag) =	ssettag $0x0;
	lr =	simm.s32 $0x1  }
0x2: {  	[smem:$0x3FA0] =	sst lr;
	_ =	strace $0xD0000000  }
0x3: {  	_ = 	snop  }
0x4: {  	_ = 	snop  }
0x5: {  	_ = 	snop  }
0x6: {  	_ = 	snop  }
0x7: {  	_ = 	snop  }
__scs_overlays_trampoline_lowered:
0x8: {  	[smem:$0x3FAF] =	sst s0  }
0x9: {  	[smem:$0x3FB0] =	sst s1  }
0xa: {  	[smem:$0x3FB1] =	sst s2  }
0xb: {  	[smem:$0x3FB2] =	sst s3  }
0xc: {  	[smem:$0x3FB3] =	sst s4  }
0xd: {  	[smem:$0x3FB4] =	sst s5  }
0xe: {  	[smem:$0x3FB5] =	sst s6  }
0xf: {  	[smem:$0x3FB6] =	sst s7  }
0x10: {  	[smem:$0x3FB7] =	sst s8  }
0x11: {  	[smem:$0x3FB8] =	sst s9;
	s0 =	simm.s32 @!p0 $0x0  }
0x12: {  	s1 =	sld [smem:$0x3F9E];
	s0 =	simm.s32 @p0 $0x1  }
0x13: {  	[smem:$0x3FB9] =	sst s0;
	s0 =	simm.s32 @!p1 $0x0  }
0x14: {  	s2 =	sld [smem:$0x3F9D];
	s0 =	simm.s32 @p1 $0x1  }
0x15: {  	[smem:$0x3FBA] =	sst s0;
	s0 =	simm.s32 @!p2 $0x0  }
0x16: {  	s3 =	sld [smem:$0x3FDB];
	s0 =	simm.s32 @p2 $0x1  }
0x17: {  	s4 =	simm.s32 $0x1BF5;
	[smem:$0x3FBC] =	sst s0  }
0x18: {  	s0 =	sld [smem:$0x3F9F];
	_ =	swait.ge [sflag:s4], $0x0  }
0x19: {  	s7 =	sld [smem:$0x3FA0]  }
0x1a: {  	s8 =	sadd.s32 $0xFFFFE003, lr  }
0x1b: {  	s9 =	sadd.s32 $0xFFFFFEF7, lr;
	s5 =	simm.s32 $0xFFFFFFFF;
	p2 =	slt.u32 s8, $0xFFFFF086  }
0x1c: {  	p1 =	slt.u32 s9, $0xF7A;
	s5 =	simm.s32 @!p2 $0x0  }
0x1d: {  	s5 =	simm.s32 @p1 $0x1;
	p0 =	seq.s32 s7, s2  }
0x1e: {  	s7 =	smul.u32 @!p0 $0xF7A, s2;
	p2 =	seq.s32 @!p0 s5, $0x0  }
0x1f: {  	s9 =	smul.u32 $0xF7A, s1;
	s8 =	simm.s32 @!p0 $0x1BF5;
	p2 =	por !p2, p0  }
0x20: {  	[sflag:s8] =	ssyncset.s32 @!p0 $0xFFFFF086;
	s6 =	sadd.s32 @!p0 s3, s7;
	s7 =	simm.s32 @!p0 $0x108  }
0x21: {  	s3 =	sadd.s32 s3, s9;
	s6 =	sadd.s32 @!p0 $0x88, s6;
	s7 =	simm.s32 @p2 $0x1082  }
0x22: {  	[simem:s7], [sflag:s8] =	dma.local @!p0 [hbm:s6], $0xF7A  }
0x23: {  	s9 =	sor.u32 $0xD0000000, s2;
	s6 =	simm.s32 $0x108;
	_ =	swait.ge @!p0 [sflag:s8], $0x0  }
0x24: {  	s3 =	sadd.s32 $0x88, s3;
	s6 =	simm.s32 @!p1 $0x1082;
	[sflag:s4] =	ssyncset.s32 $0xFFFFF086  }
0x25: {  	[simem:s6], [sflag:s4] =	dma.local [hbm:s3], $0xF7A  }
0x26: {  	[smem:$0x3FA0] =	sst s1;
	(tag) =	ssettag s2;
	_ =	strace s9  }
0x27: {  	s1 =	sld [smem:$0x3FB0]  }
0x28: {  	s2 =	sld [smem:$0x3FB1]  }
0x29: {  	s4 =	sld [smem:$0x3FB3]  }
0x2a: {  	p0 =	seq.s32 s5, $0x0;
	s5 =	sld [smem:$0x3FB4]  }
0x2b: {  	s6 =	sld [smem:$0x3FB5]  }
0x2c: {  	s7 =	sld [smem:$0x3FB6]  }
0x2d: {  	s3 =	simm.s32 $0x108;
	s8 =	sld [smem:$0x3FB7]  }
0x2e: {  	s3 =	simm.s32 @!p0 $0x1082;
	s9 =	sld [smem:$0x3FB8]  }
0x2f: {  	lr =	sadd.s32 s0, s3;
	s0 =	sld [smem:$0x3FAF]  }
0x30: {  	s3 =	sld [smem:$0x3FB2]  }
0x31: {  	[smem:$0x3FBB] =	sst s10  }
0x32: {  	s10 =	sld [smem:$0x3FB9];
	_ =	sdelay $0x3  }
0x33: {  	p0 =	seq.s32 s10, $0x1;
	s10 =	sld [smem:$0x3FBB];
	_ =	sdelay $0x3  }
0x34: {  	[smem:$0x3FBB] =	sst s10  }
0x35: {  	s10 =	sld [smem:$0x3FBA];
	_ =	sdelay $0x3  }
0x36: {  	p1 =	seq.s32 s10, $0x1;
	s10 =	sld [smem:$0x3FBB];
	_ =	sdelay $0x3  }
0x37: {  	[smem:$0x3FBB] =	sst s10  }
0x38: {  	s10 =	sld [smem:$0x3FBC]  }
0x39: {  	_ = 	snop;
	(pc) =	sbr.ind lr, $3  }
0x3a: {  	_ = 	snop  }
0x3b: {  	_ = 	snop  }
0x3c: {  	p2 =	seq.s32 s10, $0x1;
	s10 =	sld [smem:$0x3FBB]  }
0x3d: {  	_ =	shalt  }
0x3e: {  	_ =	shalt  }
0x3f: {  	_ =	shalt  }
0x40: {  	_ =	shalt  }
0x41: {  	_ =	shalt  }
0x42: {  	_ =	shalt  }
0x43: {  	_ =	shalt  }
0x44: {  	_ =	shalt  }
0x45: {  	_ =	shalt  }
0x46: {  	_ =	shalt  }
0x47: {  	_ =	shalt  }
0x48: {  	_ =	shalt  }
0x49: {  	_ =	shalt  }
0x4a: {  	_ =	shalt  }
0x4b: {  	_ =	shalt  }
0x4c: {  	_ =	shalt  }
0x4d: {  	_ =	shalt  }
0x4e: {  	_ =	shalt  }
0x4f: {  	_ =	shalt  }
0x50: {  	_ =	shalt  }
0x51: {  	_ =	shalt  }
0x52: {  	_ =	shalt  }
0x53: {  	_ =	shalt  }
0x54: {  	_ =	shalt  }
0x55: {  	_ =	shalt  }
0x56: {  	_ =	shalt  }
0x57: {  	_ =	shalt  }
0x58: {  	_ =	shalt  }
0x59: {  	_ =	shalt  }
0x5a: {  	_ =	shalt  }
0x5b: {  	_ =	shalt  }
0x5c: {  	_ =	shalt  }
0x5d: {  	_ =	shalt  }
0x5e: {  	_ =	shalt  }
0x5f: {  	_ =	shalt  }
0x60: {  	_ =	shalt  }
0x61: {  	_ =	shalt  }
0x62: {  	_ =	shalt  }
0x63: {  	_ =	shalt  }
0x64: {  	_ =	shalt  }
0x65: {  	_ =	shalt  }
0x66: {  	_ =	shalt  }
0x67: {  	_ =	shalt  }
0x68: {  	_ =	shalt  }
0x69: {  	_ =	shalt  }
0x6a: {  	_ =	shalt  }
0x6b: {  	_ =	shalt  }
0x6c: {  	_ =	shalt  }
0x6d: {  	_ =	shalt  }
0x6e: {  	_ =	shalt  }
0x6f: {  	_ =	shalt  }
0x70: {  	_ =	shalt  }
0x71: {  	_ =	shalt  }
0x72: {  	_ =	shalt  }
0x73: {  	_ =	shalt  }
0x74: {  	_ =	shalt  }
0x75: {  	_ =	shalt  }
0x76: {  	_ =	shalt  }
0x77: {  	_ =	shalt  }
0x78: {  	_ =	shalt  }
0x79: {  	_ =	shalt  }
0x7a: {  	_ =	shalt  }
0x7b: {  	_ =	shalt  }
0x7c: {  	_ =	shalt  }
0x7d: {  	_ =	shalt  }
0x7e: {  	_ =	shalt  }
0x7f: {  	_ =	shalt  }
0x80: {  	_ =	shalt  }
0x81: {  	_ =	shalt  }
0x82: {  	_ =	shalt  }
0x83: {  	_ =	shalt  }
0x84: {  	_ =	shalt  }
0x85: {  	_ =	shalt  }
0x86: {  	_ =	shalt  }
0x87: {  	_ =	shalt  }
.Lfunc_end0:
.L_simem_size_0:
called_computation.1_lowered:
.L_overlay_start_0:
0x88: {  	s2 =	sld [smem:$0x3FD9]  }
0x89: {  	s3 =	sld [smem:$0x3FFE];
	_ =	sdelay $0x1  }
0x8a: {  	s1 =	srdreg.scid  }
0x8b: {  	s0 =	sand.u32 $0x1, s1  }
0x8c: {  	s17 =	sshll.u32 s0, $0xA;
	s2 =	sadd.s32 s3, s2  }
0x8d: {  	s2 =	sadd.s32 s2, s17  }
0x8e: {  	[smem:$0x3FC7] =	sst s2  }
0x8f: {  	_ = 	snop  }
0x90: {  	s2 =	sld [smem:$0x3FD0];
	(tm) =	ssettm $0x1  }
0x91: {  	s18 =	sld [smem:$0x3FFB];
	_ =	sdelay $0x3  }
0x92: {  	_ =	strace s18  }
0x93: {  	s3 =	sld [smem:$0x3FFC];
	_ =	sdelay $0x3  }
0x94: {  	_ =	strace s3  }
0x95: {  	s3 =	sld [smem:$0x3FFD];
	_ =	sdelay $0x3  }
0x96: {  	_ =	strace s3  }
0x97: {  	_ =	strace $0x8FFFFFFF  }
0x98: {  	s19 =	sld [smem:$0x3FDB];
	_ =	sdelay $0x1  }
0x99: {  	s4 =	simm.s32 $_scs_section_size  }
0x9a: {  	s5 =	simm.s32 $_size__tile_overlayer_lowered;
	s6 =	simm.s32 $_tile_overlayer_lowered  }
0x9b: {  	s22 =	simm.s32 $0x1BFF;
	s21 =	sshll.u32 s6, $0x1;
	s3 =	sadd.s32 s4, s19  }
0x9c: {  	s7 =	simm.s32 $0x0;
	s20 =	sshll.u32 s5, $0x1;
	s5 =	sadd.s32 s21, s3  }
0x9d: {  	[timem:s7], [sflag:s22] =	dma.local [hbm:s5], s20  }
0x9e: {  	_ =	swait.ge [sflag:s22], s20  }
0x9f: {  	s4 =	ssub.s32 $0x0, s20;
	[sflag:s22] =	ssyncset.done $0x0  }
0xa0: {  	[sflag:s22] =	ssyncadd.s32 s4;
	_ =	sdelay $0x1  }
0xa1: {  	s23 =	simm.s32 $0x1B8B  }
0xa2: {  	_ =	swait.ge [sflag:s23], $0x1  }
0xa3: {  	[sflag:s23] =	ssyncset.done $0x0  }
0xa4: {  	s25 =	simm.s32 $0x1B8E;
	s24 =	sld [smem:$0x3FFE];
	[sflag:s23] =	ssyncadd.s32 $0xFFFFFFFF  }
0xa5: {  	s26 =	simm.s32 $execute0_lowered;
	[smem:$0x3FD2] =	sst s25  }
0xa6: {  	s5 =	sshll.u32 s26, $0x1;
	_ =	strace $0x80000046;
	[dreg:$0x1] =	wrdreg $0xFFFFFFFF  }
0xa7: {  	s28 =	simm.s32 $_size_execute0_lowered;
	s3 =	sadd.s32 s3, s5;
	[dreg:$0x0] =	wrdreg $0x0  }
0xa8: {  	s5 =	sshll.u32 s28, $0x1;
	[dreg:$0x2] =	wrdreg s3  }
0xa9: {  	[dreg:$0x3] =	wrdreg s5  }
0xaa: {  	[dreg:$0x4] =	wrdreg $0xC0  }
0xab: {  	_ =	task [dreg:s7], $0x5FFFF  }
0xac: {  	[dreg:$0x1] =	wrdreg $0xFFFFFFFF  }
0xad: {  	[dreg:$0x0] =	wrdreg $0x60  }
0xae: {  	[dreg:$0x2] =	wrdreg s24  }
0xaf: {  	[dreg:$0x3] =	wrdreg s2  }
0xb0: {  	[dreg:$0x4] =	wrdreg $0x0  }
0xb1: {  	[dreg:$0x5] =	wrdreg $0x9  }
0xb2: {  	_ =	task.clear_ibuf [dreg:s7], $0x6FFFF;
	_ =	strace $0x90000046  }
0xb3: {  	s29 =	simm.s32 $0x9;
	_ =	strace $0x80000048  }
0xb4: {  	_ =	swait.ge [sflag:s29], $0x1  }
0xb5: {  	[sflag:s29] =	ssyncadd.s32 $0xFFFFFFFF  }
0xb6: {  	_ =	strace $0x90000048  }
0xb7: {  	_ =	sfence  }
0xb8: {  	s30 =	sld [smem:$0x0];
	_ =	sdelay $0x2  }
0xb9: {  	s31 =	sshll.u32 s1, $0xD;
	s1 =	sshrl.u32 s1, $0x2  }
0xba: {  	s3 =	sand.u32 $0x4000, s31;
	s1 =	sadd.s32 s1, s30  }
0xbb: {  	s0 =	sor.u32 s3, s0;
	s1 =	sshll.u32 s1, $0x11  }
0xbc: {  	s0 =	sor.u32 s1, s0  }
0xbd: {  	s0 =	sadd.s32 $0x8F2B, s0  }
0xbe: {  	[sflag:s0] =	ssyncadd.remote.s32 $0x1  }
0xbf: {  	_ =	sfence.sel $0xFFFF  }
0xc0: {  	[dreg:$0x0] =	wrdreg $0xFFFFFFFF;
	(pc) =	sbr.abs _section_cstart, $3  }
0xc1: {  	[dreg:$0x1] =	wrdreg $0xFFFFFFFF  }
0xc2: {  	_ =	task.clear_ibuf [dreg:s7], $0x2FFFF;
	_ =	strace $0x9FFFFFFF  }
0xc3: {  	(tm) =	ssettm $0x7FFFFFFF  }
tec
execute0_lowered:
.L_overlay_start_1:
0x0: {  	(tag) =	ssettag $0x1  }
0x1: {  	s0 =	rddreg [dreg:$0x0]  }
0x2: {  	s1 =	rddreg [dreg:$0x1]  }
0x3: {  	s2 =	rddreg [dreg:$0x2];
	s3 =	srdreg.scid;
	s10 =	simm.s32 $0x0  }
0x4: {  	s9 =	stileid.u32;
	s12 =	simm.s32 $0x1;
	s13 =	simm.s32 $0x80  }
0x5: {  	s14 =	simm.s32 $0x400;
	s15 =	simm.s32 $0x4000;
	s16 =	simm.s32 $0x4180  }
0x6: {  	s28 =	simm.s32 $0x4B80;
	s29 =	simm.s32 $0x5380;
	s30 =	simm.s32 $0x4C00  }
0x7: {  	s31 =	simm.s32 $0x5400;
	s3 =	sand.u32 $0x1, s3;
	[smem:$0x7FF] =	sst s10  }
0x8: {  	s6 =	sshll.u32 s9, $0xE;
	s5 =	sadd.s32 $0xC00, s0;
	s8 =	sshll.u32 s9, $0x8  }
0x9: {  	s9 =	sshll.u32 s9, $0x9;
	s4 =	ssub.s32 $0x2, s3;
	_ =	strace $0x80000047  }
0xa: {  	s0 =	sadd.s32 s6, s0;
	s6 =	sadd.s32 s6, s2;
	s7 =	sshrl.u32 s4, $0x1  }
0xb: {  	s24 =	sand.u32 $0x300, s8;
	s25 =	sand.u32 $0x1800, s9;
	s4 =	ssub.s32 s4, s7  }
0xc: {  	v0 =	vimm.f32 $0.0e+00;
	s8 =	sor.u32 s24, s25;
	s9 =	sadd.s32 $0x20C00, s0;
	s26 =	smax.u32 s4, $0x1  }
0xd: {  	vm0 =	vmxor vm0, vm0;
	vm1 =	vcmask $0x3F3C;
	vm2 =	vmmov $0x1;
	s0 =	simm.s32 $0x10;
	s7 =	sshll.u32 s3, $0x6;
	[dreg:$0x5] =	wrdreg s26  }
.LBB2_1:
0xe: {  	[dreg:$0x4] =	wrdreg s10;
	s3 =	simm.s32 $0x40;
	s4 =	simm.s32 $0x0  }
.LBB2_2:
0xf: {  	p0 =	sne.s32 s3, $0xFFC0;
	[tilespmem:s4+$0x5480] =	vst v0;
	s4 =	smov.u32 s3;
	s3 =	sadd.s32 $0x40, s3  }
.Ltmp0:
0x10: {  	(pc) =	sbr.rel @p0 .LBB2_2-.Ltmp0, $2  }
0x11: {  	_ =	sdelay $0x2  }
0x12: {  	s4 =	sshra.s32 s4, $0x2  }
0x13: {  	[tilespmem:s4+$0x5480] =	vst v0  }
0x14: {  	[tilespmem:$0x4100] =	vst v0  }
0x15: {  	s3 =	simm.s32 $0x5480;
	[tilespmem:$0x4280] =	vst v0  }
0x16: {  	[spmem:s6] =	stream.linear.scatter [tilespmem:s3], [sflag:$0x1], $0x4000, $0x38;
	[tilespmem:$0x9480] =	vst v63  }
0x17: {  	_ =	swait.ge [sflag:s12], $0x4000  }
0x18: {  	[sflag:s12] =	ssyncset.done $0x0  }
0x19: {  	s10 =	simm.s32 $0x0;
	[sflag:s12] =	ssyncadd.s32 $0xFFFFC000  }
.LBB2_4:
0x1a: {  	s4 =	sadd.s32 s7, s10  }
0x1b: {  	s3 =	sshll.u32 s4, $0xD  }
0x1c: {  	s3 =	sor.u32 s3, s8  }
0x1d: {  	s3 =	sshrl.u32 s3, $0x3  }
0x1e: {  	s11 =	sadd.s32 s5, s3  }
0x1f: {  	[tilespmem:s15], [sflag:$0x1] =	stream.strided.gather [hbm4b:s11+s13], $0x100, s14, s13, $0x38;
	[tilespmem:$0x9480] =	vst v63  }
0x20: {  	_ =	swait.ge [sflag:s12], $0x100  }
0x21: {  	[sflag:s12] =	ssyncset.done $0x0  }
0x22: {  	s26 =	sadd.s32 s1, s3;
	[sflag:s12] =	ssyncadd.s32 $0xFFFFFF00  }
0x23: {  	[tilespmem:s16], [sflag:$0x1] =	stream.strided.gather [hbm4b:s26+s13], $0x100, s14, s13, $0x38;
	[tilespmem:$0x9480] =	vst v63  }
0x24: {  	_ =	swait.ge [sflag:s12], $0x100  }
0x25: {  	[sflag:s12] =	ssyncset.done $0x0  }
0x26: {  	s17 =	simm.s32 $0x0;
	[sflag:s12] =	ssyncadd.s32 $0xFFFFFF00  }
0x27: {  	v1 =	vld [tilespmem:s17+$0x4000]  }
0x28: {  	v2 =	vld [tilespmem:s17+$0x4001]  }
0x29: {  	v3 =	vld [tilespmem:s17+$0x4180]  }
0x2a: {  	v4 =	vld [tilespmem:s17+$0x4181];
	_ =	sdelay $0x4  }
0x2b: {  	s18 =	simm.s32 $0x10;
	v1 =	vsub.f32 v2, v1;
	v2 =	vsub.f32 v4, v3  }
0x2c: {  	v5 =	vld [tilespmem:s18+$0x4180]  }
0x2d: {  	v3 =	vld [tilespmem:s18+$0x4000];
	v1 =	vmul.f32 v1, v1;
	v2 =	vmul.f32 v2, v2  }
0x2e: {  	v4 =	vld [tilespmem:s18+$0x4001]  }
0x2f: {  	v6 =	vld [tilespmem:s18+$0x4181];
	v1 =	vadd.f32 v2, v1;
	_ =	sdelay $0x1  }
0x30: {  	v1 =	vmax.f32 v1, $1.000000020e-24  }
0x31: {  	v2 =	vshrl.u32 v1, $0x1;
	v9 =	vmul.f32 $5.000000000e-01, v1  }
0x32: {  	v3 =	vsub.f32 v4, v3;
	v4 =	vsub.s32 $0x5F3759DF, v2  }
0x33: {  	v2 =	vsub.f32 v6, v5;
	v5 =	vmul.f32 v4, v9  }
0x34: {  	s19 =	simm.s32 $0x20;
	v3 =	vmul.f32 v3, v3  }
0x35: {  	v7 =	vld [tilespmem:s19+$0x4001];
	v2 =	vmul.f32 v2, v2;
	v5 =	vmul.f32 v4, v5  }
0x36: {  	v8 =	vld [tilespmem:s19+$0x4180]  }
0x37: {  	v6 =	vld [tilespmem:s19+$0x4000];
	v2 =	vadd.f32 v2, v3;
	v3 =	vsub.f32 $1.500000000e+00, v5  }
0x38: {  	v10 =	vld [tilespmem:s19+$0x4181]  }
0x39: {  	v2 =	vmax.f32 v2, $1.000000020e-24;
	v3 =	vmul.f32 v4, v3  }
0x3a: {  	v4 =	vshrl.u32 v2, $0x1  }
0x3b: {  	s20 =	simm.s32 $0x30;
	v5 =	vmul.f32 $5.000000000e-01, v2;
	v11 =	vsub.s32 $0x5F3759DF, v4;
	v4 =	vmul.f32 v3, v9  }
0x3c: {  	v13 =	vld [tilespmem:s20+$0x4180];
	v6 =	vsub.f32 v7, v6  }
0x3d: {  	v14 =	vld [tilespmem:s20+$0x4181];
	v7 =	vsub.f32 v10, v8;
	v8 =	vmul.f32 v11, v5;
	v4 =	vmul.f32 v4, v3  }
0x3e: {  	v12 =	vld [tilespmem:s20+$0x4001];
	v6 =	vmul.f32 v6, v6  }
0x3f: {  	v10 =	vld [tilespmem:s20+$0x4000];
	v7 =	vmul.f32 v7, v7;
	v8 =	vmul.f32 v11, v8;
	v4 =	vsub.f32 $1.500000000e+00, v4;
	_ =	sdelay $0x1  }
0x40: {  	v6 =	vadd.f32 v7, v6;
	v8 =	vsub.f32 $1.500000000e+00, v8;
	v7 =	vmul.f32 v4, v3  }
0x41: {  	vm4 =	vmmov vm0;
	v14 =	vsub.f32 v14, v13  }
0x42: {  	s21 =	simm.s32 $0x40;
	v3 =	vmax.f32 v6, $1.000000020e-24;
	v8 =	vmul.f32 v11, v8;
	v15 =	vmul.f32 v7, v9  }
0x43: {  	v13 =	vld [tilespmem:s21+$0x4180];
	v12 =	vsub.f32 v12, v10;
	v11 =	vshrl.u32 v3, $0x1;
	v6 =	vmul.f32 $5.000000000e-01, v3  }
0x44: {  	p0 =	por $0x0, $0x0;
	v10 =	vld [tilespmem:s21+$0x4000];
	v9 =	vsub.s32 $0x5F3759DF, v11;
	v17 =	vmul.f32 v8, v5;
	v15 =	vmul.f32 v15, v7  }
0x45: {  	vm3 =	vmmov vm0;
	vm4 =	vmneg @p0 vm4;
	v11 =	vld [tilespmem:s21+$0x4001];
	v19 =	vmul.f32 v9, v6  }
0x46: {  	p0 =	por $0x0, $0x0;
	v16 =	vmul.f32 v12, v12;
	v20 =	vmul.f32 v17, v8;
	v12 =	vsub.f32 $1.500000000e+00, v15;
	v15 =	vld [tilespmem:s21+$0x4181]  }
0x47: {  	s24 =	simm.s32 $0x80;
	vm3 =	vmneg @p0 vm3;
	vm4 =	vmand vm4, vm1;
	v17 =	vmul.f32 v9, v19  }
0x48: {  	s23 =	simm.s32 $0xC0;
	s22 =	simm.s32 $0x100;
	s11 =	simm.s32 $0x140;
	v18 =	vmul.f32 v14, v14;
	v4 =	vimm.f32 $0.0e+00;
	v14 =	vsub.f32 $1.500000000e+00, v20  }
.LBB2_5:
0x49: {  	v17 =	vsub.f32 $1.500000000e+00, v17;
	v12 =	vmul.f32 v12, v7  }
0x4a: {  	p0 =	sne.s32 s11, $0x3C0;
	v16 =	vadd.f32 v18, v16;
	s25 =	smov.u32 s22;
	s22 =	smov.u32 s11;
	v18 =	vsub.f32 v11, v10;
	v7 =	vmul.f32 v14, v8  }
0x4b: {  	s26 =	sshra.s32 s11, $0x2;
	v19 =	vsub.f32 v15, v13;
	v8 =	vmul.f32 v9, v17;
	v12 =	vmul.f32 v12, v1  }
0x4c: {  	v10 =	vld [tilespmem:s26+$0x4000];
	v1 =	vmovc v2;
	v2 =	vmovc v3;
	v3 =	vmax.f32 v16, $1.000000020e-24;
	v16 =	vmul.f32 v18, v18;
	v14 =	vmul.f32 v7, v5  }
0x4d: {  	v11 =	vld [tilespmem:s26+$0x4001];
	v9 =	vshrl.u32 v3, $0x1;
	v5 =	vmovc v6;
	v6 =	vmul.f32 $5.000000000e-01, v3;
	v18 =	vmul.f32 v19, v19  }
.Ltmp1:
0x4e: {  	v13 =	vld [tilespmem:s26+$0x4180];
	v9 =	vsub.s32 $0x5F3759DF, v9;
	v17 =	vmul.f32 v8, v5;
	v12 =	vmin.f32 v12, $2.000000000e+00;
	(pc) =	sbr.rel @p0 .LBB2_5-.Ltmp1, $4  }
0x4f: {  	v15 =	vld [tilespmem:s26+$0x4181];
	v20 =	vmul.f32 v9, v6;
	v14 =	vmul.f32 v14, v7;
	v12 =	vsel vm4, $0x0, v12  }
0x50: {  	vm4 =	vmand vm3, vm1;
	v21 =	vmul.f32 v17, v8;
	[tilespmem:s17+$0x4301] =	vst v12;
	v4 =	vadd.f32 v12, v4;
	s17 =	smov.u32 s18;
	s18 =	smov.u32 s19;
	s19 =	smov.u32 s20  }
0x51: {  	p1 =	seq.s32 s24, $0x3C0;
	vm3 =	vmmov vm0;
	s20 =	smov.u32 s21;
	s21 =	smov.u32 s26;
	v17 =	vmul.f32 v9, v20;
	v12 =	vsub.f32 $1.500000000e+00, v14  }
0x52: {  	s11 =	sadd.s32 $0x40, s11;
	s24 =	smov.u32 s23;
	s23 =	smov.u32 s25;
	vm3 =	vmneg @p1 vm3;
	v14 =	vsub.f32 $1.500000000e+00, v21  }
0x53: {  	_ = 	snop  }
0x54: {  	v10 =	vsub.f32 v11, v10;
	v30 =	vsub.f32 v15, v13;
	_ =	sdelay $0x1  }
0x55: {  	v31 =	vadd.f32 v18, v16;
	v10 =	vmul.f32 v10, v10;
	v11 =	vmul.f32 v30, v30;
	_ =	sdelay $0x1  }
0x56: {  	v13 =	vmax.f32 v31, $1.000000020e-24;
	v10 =	vadd.f32 v11, v10  }
0x57: {  	v32 =	vshrl.u32 v13, $0x1;
	v33 =	vmul.f32 $5.000000000e-01, v13  }
0x58: {  	v11 =	vsub.s32 $0x5F3759DF, v32;
	v10 =	vmax.f32 v10, $1.000000020e-24  }
0x59: {  	v34 =	vmul.f32 v11, v33;
	v35 =	vshrl.u32 v10, $0x1;
	v19 =	vmul.f32 $5.000000000e-01, v10  }
0x5a: {  	v17 =	vsub.f32 $1.500000000e+00, v17;
	v18 =	vsub.s32 $0x5F3759DF, v35  }
0x5b: {  	v16 =	vmul.f32 v11, v34;
	v20 =	vmul.f32 v18, v19  }
0x5c: {  	v9 =	vmul.f32 v9, v17  }
0x5d: {  	v16 =	vsub.f32 $1.500000000e+00, v16;
	v36 =	vmul.f32 v18, v20  }
0x5e: {  	v37 =	vmul.f32 v9, v6  }
0x5f: {  	v11 =	vmul.f32 v11, v16;
	v38 =	vsub.f32 $1.500000000e+00, v36  }
0x60: {  	v8 =	vmul.f32 v14, v8;
	v39 =	vmul.f32 v37, v9  }
0x61: {  	v40 =	vmul.f32 v11, v33;
	v16 =	vmul.f32 v18, v38  }
0x62: {  	v5 =	vmul.f32 v8, v5;
	v41 =	vsub.f32 $1.500000000e+00, v39  }
0x63: {  	v42 =	vmul.f32 v40, v11;
	v43 =	vmul.f32 v16, v19  }
0x64: {  	v5 =	vmul.f32 v5, v8;
	v9 =	vmul.f32 v41, v9  }
0x65: {  	v7 =	vmul.f32 v12, v7;
	v44 =	vsub.f32 $1.500000000e+00, v42;
	v45 =	vmul.f32 v43, v16  }
0x66: {  	v5 =	vsub.f32 $1.500000000e+00, v5;
	v46 =	vmul.f32 v9, v6  }
0x67: {  	v1 =	vmul.f32 v7, v1;
	v11 =	vmul.f32 v44, v11;
	v47 =	vsub.f32 $1.500000000e+00, v45  }
0x68: {  	vm3 =	vmand vm3, vm1;
	v5 =	vmul.f32 v5, v8;
	v6 =	vmul.f32 v46, v9  }
0x69: {  	v1 =	vmin.f32 v1, $2.000000000e+00;
	v48 =	vmul.f32 v11, v33;
	v12 =	vmul.f32 v47, v16  }
0x6a: {  	v1 =	vsel vm4, $0x0, v1;
	vm4 =	vmmov vm0;
	v2 =	vmul.f32 v5, v2  }
0x6b: {  	p0 =	seq.s32 s24, $0x3C0;
	v6 =	vsub.f32 $1.500000000e+00, v6;
	v7 =	vmul.f32 v48, v11;
	v49 =	vmul.f32 v12, v19  }
0x6c: {  	v4 =	vadd.f32 v1, v4;
	vm4 =	vmneg @p0 vm4;
	v2 =	vmin.f32 v2, $2.000000000e+00  }
0x6d: {  	v5 =	vmul.f32 v6, v9;
	v50 =	vsub.f32 $1.500000000e+00, v7;
	v51 =	vmul.f32 v49, v12  }
0x6e: {  	v2 =	vsel vm3, $0x0, v2;
	vm3 =	vmand vm4, vm1;
	vm4 =	vmmov vm0  }
0x6f: {  	p0 =	seq.s32 s23, $0x3C0;
	v3 =	vmul.f32 v5, v3;
	v5 =	vmul.f32 v50, v11;
	v52 =	vsub.f32 $1.500000000e+00, v51  }
0x70: {  	v4 =	vadd.f32 v2, v4;
	vm4 =	vmneg @p0 vm4  }
0x71: {  	v3 =	vmin.f32 v3, $2.000000000e+00;
	v5 =	vmul.f32 v5, v13;
	v6 =	vmul.f32 v52, v12  }
0x72: {  	vm4 =	vmand vm4, vm1;
	v3 =	vsel vm3, $0x0, v3;
	vm3 =	vmmov vm0  }
0x73: {  	p0 =	seq.s32 s22, $0x3C0;
	v4 =	vadd.f32 v3, v4;
	v5 =	vmin.f32 v5, $2.000000000e+00;
	v6 =	vmul.f32 v6, v10  }
0x74: {  	vm3 =	vmneg @p0 vm3;
	v5 =	vsel vm4, $0x0, v5  }
0x75: {  	vm3 =	vmand vm3, vm1;
	v4 =	vadd.f32 v5, v4;
	v6 =	vmin.f32 v6, $2.000000000e+00  }
0x76: {  	v6 =	vsel vm3, $0x0, v6  }
0x77: {  	v4 =	vadd.f32 v6, v4;
	_ =	sdelay $0x1  }
0x78: {  	[tilespmem:s17+$0x4301] =	vst v1;
	(xrf2) =	vadd.scan.msk.f32 $0xffff, v4  }
0x79: {  	[tilespmem:s18+$0x4301] =	vst v2  }
0x7a: {  	[tilespmem:s19+$0x4301] =	vst v3  }
0x7b: {  	[tilespmem:s20+$0x4301] =	vst v5  }
0x7c: {  	[tilespmem:s21+$0x4301] =	vst v6  }
0x7d: {  	v1 =	vld [tilespmem:$0x4301];
	_ =	sdelay $0x4  }
0x7e: {  	(v2sf) =	vpush v1, $0x0;
	v2, _, _ =	vpop (xrf2)  }
0x7f: {  	(v2sf) =	vpush v2, $0xF;
	_ =	sdelay $0xc  }
0x80: {  	v2 =	vld [tilespmem:$0x4300]  }
0x81: {  	s11 =	spop (v2sf)  }
0x82: {  	s25 =	spop (v2sf)  }
0x83: {  	s11 =	sadd.f32 s11, s25;
	_ =	sdelay $0x1  }
0x84: {  	v1 =	vsel vm2, v1, v2;
	v3 =	vmov s11  }
0x85: {  	s26 =	simm.s32 $0x0;
	[tilespmem:$0x4300] =	vst v1;
	v4 =	vmax.f32 v3, $9.999999680e-21  }
0x86: {  	v1 =	vld [tilespmem:s26+$0x4000];
	(erf) = vrcp.f32 v4;
	_ =	sdelay $0x4  }
0x87: {  	v5 =	vsub.f32 $0.0e+00, v1  }
0x88: {  	v4 =	vld [tilespmem:s26+$0x4180]  }
0x89: {  	v53 =	vtrunc.f32 v5  }
0x8a: {  	v6 =	vcvt.f32.s32 v53  }
0x8b: {  	v2 =	vld [tilespmem:s26+$0x4300];
	v1 =	vpop (erf)  }
0x8c: {  	v54 =	vcvt.s32.f32 v6;
	v1 =	vadd.f32 v1, v1  }
0x8d: {  	vm3 =	vlt.f32 v3, $2.000000000e+00;
	vm15 =	vlt.f32 v3, $2.219999940e-06;
	v3 =	vtrunc.f32 v4  }
0x8e: {  	v3 =	vcvt.f32.s32 v3;
	v1 =	vnsel vm3, $0x3F800000, v1  }
0x8f: {  	v5 =	vsub.f32 v5, v54;
	v1 =	vsel vm15, $0x0, v1  }
0x90: {  	v56 =	vcvt.s32.f32 v3;
	v55 =	vmul.f32 v2, v1  }
0x91: {  	v57 =	vsub.f32 $1.000000000e+00, v5;
	v2 =	vsel vm15, $0x3C000000, v0  }
0x92: {  	v4 =	vsub.f32 v4, v56;
	v8 =	vadd.f32 v55, v2;
	_ =	sdelay $0x1  }
0x93: {  	v58 =	vsub.f32 $1.000000000e+00, v4;
	v7 =	vmul.f32 v57, v8  }
0x94: {  	v6 =	vshll.u32 v6, $0x9  }
0x95: {  	s17 =	simm.s32 $0x44A0;
	v3 =	vadd.s32 v3, v6;
	v5 =	vmul.f32 v5, v8;
	v59 =	vmul.f32 v7, v58  }
0x96: {  	s19 =	simm.s32 $0x4CA0;
	[tilespmem:s17+$0xFFFFFFE0] =	vst v3  }
0x97: {  	v60 =	vadd.s32 $0x200, v3;
	v8 =	vmul.f32 v58, v5;
	[tilespmem:s19+$0xFFFFFFE0] =	vst v59  }
0x98: {  	[tilespmem:s17+$0xFFFFFFF0] =	vst v60  }
0x99: {  	v62 =	vadd.s32 $0x1, v3;
	v61 =	vmul.f32 v7, v4;
	[tilespmem:s19+$0xFFFFFFF0] =	vst v8  }
0x9a: {  	[tilespmem:s17+$0x0] =	vst v62  }
0x9b: {  	v63 =	vadd.s32 $0x201, v3;
	[tilespmem:s19+$0x0] =	vst v61  }
0x9c: {  	s18 =	simm.s32 $0x4CE0;
	s20 =	simm.s32 $0x40;
	s21 =	simm.s32 $0x80;
	v3 =	vmul.f32 v5, v4;
	[tilespmem:s17+$0x10] =	vst v63  }
.LBB2_7:
0x9d: {  	s22 =	sshra.s32 s20, $0x2;
	s17 =	sadd.s32 $0x40, s17  }
0x9e: {  	[tilespmem:s19+$0x10] =	vst v3;
	s20 =	smov.u32 s21;
	s11 =	sadd.s32 $0x40, s21;
	s19 =	smov.u32 s18  }
0x9f: {  	p0 =	sne.s32 s21, $0x3C0;
	v3 =	vld [tilespmem:s22+$0x4000];
	_ =	sdelay $0x3  }
0xa0: {  	v4 =	vld [tilespmem:s22+$0x4180]  }
0xa1: {  	v3 =	vsub.f32 $0.0e+00, v3;
	v5 =	vld [tilespmem:s22+$0x4300];
	_ =	sdelay $0x1  }
0xa2: {  	v6 =	vtrunc.f32 v3  }
0xa3: {  	v6 =	vcvt.f32.s32 v6  }
0xa4: {  	v7 =	vtrunc.f32 v4  }
0xa5: {  	v7 =	vcvt.f32.s32 v7;
	v8 =	vcvt.s32.f32 v6  }
0xa6: {  	v5 =	vmul.f32 v5, v1;
	v6 =	vshll.u32 v6, $0x9  }
0xa7: {  	v3 =	vsub.f32 v3, v8;
	v8 =	vcvt.s32.f32 v7;
	v6 =	vadd.s32 v7, v6  }
0xa8: {  	v5 =	vadd.f32 v5, v2  }
0xa9: {  	v4 =	vsub.f32 v4, v8;
	v7 =	vsub.f32 $1.000000000e+00, v3  }
0xaa: {  	v8 =	vmul.f32 v3, v5  }
0xab: {  	v9 =	vsub.f32 $1.000000000e+00, v4;
	v5 =	vmul.f32 v7, v5  }
0xac: {  	v3 =	vmul.f32 v8, v4  }
0xad: {  	v7 =	vmul.f32 v5, v9;
	v4 =	vmul.f32 v5, v4  }
0xae: {  	[tilespmem:s17+$0xFFFFFFE0] =	vst v6  }
0xaf: {  	v5 =	vadd.s32 $0x200, v6;
	[tilespmem:s18+$0xFFFFFFE0] =	vst v7;
	v7 =	vmul.f32 v9, v8  }
.Ltmp2:
0xb0: {  	[tilespmem:s17+$0xFFFFFFF0] =	vst v5;
	(pc) =	sbr.rel @p0 .LBB2_7-.Ltmp2, $4  }
0xb1: {  	v5 =	vadd.s32 $0x1, v6;
	[tilespmem:s18+$0xFFFFFFF0] =	vst v7  }
0xb2: {  	[tilespmem:s17+$0x0] =	vst v5  }
0xb3: {  	[tilespmem:s18+$0x0] =	vst v4;
	v4 =	vadd.s32 $0x201, v6  }
0xb4: {  	s21 =	smov.u32 s11;
	s18 =	sadd.s32 $0x40, s18;
	[tilespmem:s17+$0x10] =	vst v4  }
0xb5: {  	s11 =	sshra.s32 s20, $0x2;
	[tilespmem:s19+$0x10] =	vst v3  }
0xb6: {  	v3 =	vld [tilespmem:s11+$0x4000];
	_ =	sdelay $0x3  }
0xb7: {  	v4 =	vld [tilespmem:s11+$0x4180]  }
0xb8: {  	v3 =	vsub.f32 $0.0e+00, v3  }
0xb9: {  	v5 =	vld [tilespmem:s11+$0x4300]  }
0xba: {  	v6 =	vtrunc.f32 v3  }
0xbb: {  	v6 =	vcvt.f32.s32 v6  }
0xbc: {  	v7 =	vtrunc.f32 v4  }
0xbd: {  	v7 =	vcvt.f32.s32 v7;
	v8 =	vcvt.s32.f32 v6  }
0xbe: {  	v1 =	vmul.f32 v5, v1  }
0xbf: {  	v5 =	vcvt.s32.f32 v7;
	v3 =	vsub.f32 v3, v8  }
0xc0: {  	v1 =	vadd.f32 v1, v2  }
0xc1: {  	v2 =	vsub.f32 v4, v5;
	v4 =	vsub.f32 $1.000000000e+00, v3;
	_ =	sdelay $0x1  }
0xc2: {  	v5 =	vsub.f32 $1.000000000e+00, v2;
	v4 =	vmul.f32 v4, v1  }
0xc3: {  	v6 =	vshll.u32 v6, $0x9  }
0xc4: {  	s25 =	sadd.s32 $0x40, s17;
	v6 =	vadd.s32 v7, v6;
	v1 =	vmul.f32 v3, v1;
	v3 =	vmul.f32 v4, v5  }
0xc5: {  	[tilespmem:s25+$0xFFFFFFE0] =	vst v6  }
0xc6: {  	v5 =	vmul.f32 v5, v1;
	[tilespmem:s18+$0xFFFFFFE0] =	vst v3;
	v3 =	vadd.s32 $0x200, v6  }
0xc7: {  	[tilespmem:s25+$0xFFFFFFF0] =	vst v3  }
0xc8: {  	v3 =	vmul.f32 v4, v2;
	v4 =	vadd.s32 $0x1, v6;
	[tilespmem:s18+$0xFFFFFFF0] =	vst v5  }
0xc9: {  	[tilespmem:s25+$0x0] =	vst v4  }
0xca: {  	v1 =	vmul.f32 v1, v2;
	v2 =	vadd.s32 $0x201, v6;
	[tilespmem:s18+$0x0] =	vst v3  }
0xcb: {  	s3 =	sor.u32 $0x10, s3;
	[tilespmem:s25+$0x10] =	vst v2  }
0xcc: {  	s26 =	sadd.s32 s5, s3;
	[tilespmem:s18+$0x10] =	vst v1  }
0xcd: {  	[tilespmem:s15], [sflag:$0x1] =	stream.strided.gather [hbm4b:s26+s13], $0x100, s14, s13, $0x38;
	[tilespmem:$0x9480] =	vst v63  }
0xce: {  	_ =	swait.ge [sflag:s12], $0x100  }
0xcf: {  	[sflag:s12] =	ssyncset.done $0x0  }
0xd0: {  	s3 =	sadd.s32 s1, s3;
	[sflag:s12] =	ssyncadd.s32 $0xFFFFFF00  }
0xd1: {  	[tilespmem:s16], [sflag:$0x1] =	stream.strided.gather [hbm4b:s3+s13], $0x100, s14, s13, $0x38;
	[tilespmem:$0x9480] =	vst v63  }
0xd2: {  	_ =	swait.ge [sflag:s12], $0x100  }
0xd3: {  	[sflag:s12] =	ssyncset.done $0x0  }
0xd4: {  	s3 =	simm.s32 $0x0;
	[sflag:s12] =	ssyncadd.s32 $0xFFFFFF00  }
0xd5: {  	v1 =	vld [tilespmem:s3+$0x4000]  }
0xd6: {  	v2 =	vld [tilespmem:s3+$0x4001]  }
0xd7: {  	v3 =	vld [tilespmem:s3+$0x4180]  }
0xd8: {  	v4 =	vld [tilespmem:s3+$0x4181];
	_ =	sdelay $0x4  }
0xd9: {  	s17 =	simm.s32 $0x10;
	v1 =	vsub.f32 v2, v1;
	v2 =	vsub.f32 v4, v3  }
0xda: {  	v5 =	vld [tilespmem:s17+$0x4180]  }
0xdb: {  	v3 =	vld [tilespmem:s17+$0x4000];
	v1 =	vmul.f32 v1, v1;
	v2 =	vmul.f32 v2, v2  }
0xdc: {  	v4 =	vld [tilespmem:s17+$0x4001]  }
0xdd: {  	v6 =	vld [tilespmem:s17+$0x4181];
	v1 =	vadd.f32 v2, v1;
	_ =	sdelay $0x1  }
0xde: {  	v1 =	vmax.f32 v1, $1.000000020e-24  }
0xdf: {  	v2 =	vshrl.u32 v1, $0x1;
	v9 =	vmul.f32 $5.000000000e-01, v1  }
0xe0: {  	v3 =	vsub.f32 v4, v3;
	v4 =	vsub.s32 $0x5F3759DF, v2  }
0xe1: {  	v2 =	vsub.f32 v6, v5;
	v5 =	vmul.f32 v4, v9  }
0xe2: {  	s18 =	simm.s32 $0x20;
	v3 =	vmul.f32 v3, v3  }
0xe3: {  	v7 =	vld [tilespmem:s18+$0x4001];
	v2 =	vmul.f32 v2, v2;
	v5 =	vmul.f32 v4, v5  }
0xe4: {  	v8 =	vld [tilespmem:s18+$0x4180]  }
0xe5: {  	v6 =	vld [tilespmem:s18+$0x4000];
	v2 =	vadd.f32 v2, v3;
	v3 =	vsub.f32 $1.500000000e+00, v5  }
0xe6: {  	v10 =	vld [tilespmem:s18+$0x4181]  }
0xe7: {  	v2 =	vmax.f32 v2, $1.000000020e-24;
	v3 =	vmul.f32 v4, v3  }
0xe8: {  	v4 =	vshrl.u32 v2, $0x1  }
0xe9: {  	s19 =	simm.s32 $0x30;
	v5 =	vmul.f32 $5.000000000e-01, v2;
	v11 =	vsub.s32 $0x5F3759DF, v4;
	v4 =	vmul.f32 v3, v9  }
0xea: {  	v13 =	vld [tilespmem:s19+$0x4180];
	v6 =	vsub.f32 v7, v6  }
0xeb: {  	v14 =	vld [tilespmem:s19+$0x4181];
	v7 =	vsub.f32 v10, v8;
	v8 =	vmul.f32 v11, v5;
	v4 =	vmul.f32 v4, v3  }
0xec: {  	v12 =	vld [tilespmem:s19+$0x4001];
	v6 =	vmul.f32 v6, v6  }
0xed: {  	v10 =	vld [tilespmem:s19+$0x4000];
	v7 =	vmul.f32 v7, v7;
	v8 =	vmul.f32 v11, v8;
	v4 =	vsub.f32 $1.500000000e+00, v4;
	_ =	sdelay $0x1  }
0xee: {  	v6 =	vadd.f32 v7, v6;
	v8 =	vsub.f32 $1.500000000e+00, v8;
	v7 =	vmul.f32 v4, v3  }
0xef: {  	vm4 =	vmmov vm0;
	v14 =	vsub.f32 v14, v13  }
0xf0: {  	s20 =	simm.s32 $0x40;
	v3 =	vmax.f32 v6, $1.000000020e-24;
	v8 =	vmul.f32 v11, v8;
	v15 =	vmul.f32 v7, v9  }
0xf1: {  	v13 =	vld [tilespmem:s20+$0x4180];
	v12 =	vsub.f32 v12, v10;
	v11 =	vshrl.u32 v3, $0x1;
	v6 =	vmul.f32 $5.000000000e-01, v3  }
0xf2: {  	p0 =	por $0x0, $0x0;
	v10 =	vld [tilespmem:s20+$0x4000];
	v9 =	vsub.s32 $0x5F3759DF, v11;
	v17 =	vmul.f32 v8, v5;
	v15 =	vmul.f32 v15, v7  }
0xf3: {  	vm3 =	vmmov vm0;
	vm4 =	vmneg @p0 vm4;
	v11 =	vld [tilespmem:s20+$0x4001];
	v19 =	vmul.f32 v9, v6  }
0xf4: {  	p0 =	por $0x0, $0x0;
	v16 =	vmul.f32 v12, v12;
	v20 =	vmul.f32 v17, v8;
	v12 =	vsub.f32 $1.500000000e+00, v15;
	v15 =	vld [tilespmem:s20+$0x4181]  }
0xf5: {  	s23 =	simm.s32 $0x80;
	vm3 =	vmneg @p0 vm3;
	vm4 =	vmand vm4, vm1;
	v17 =	vmul.f32 v9, v19  }
0xf6: {  	s22 =	simm.s32 $0xC0;
	s21 =	simm.s32 $0x100;
	s11 =	simm.s32 $0x140;
	v18 =	vmul.f32 v14, v14;
	v4 =	vimm.f32 $0.0e+00;
	v14 =	vsub.f32 $1.500000000e+00, v20  }
.LBB2_9:
0xf7: {  	v17 =	vsub.f32 $1.500000000e+00, v17;
	v12 =	vmul.f32 v12, v7  }
0xf8: {  	p0 =	sne.s32 s11, $0x3C0;
	v16 =	vadd.f32 v18, v16;
	s24 =	smov.u32 s21;
	s21 =	smov.u32 s11;
	v18 =	vsub.f32 v11, v10;
	v7 =	vmul.f32 v14, v8  }
0xf9: {  	s25 =	sshra.s32 s11, $0x2;
	v19 =	vsub.f32 v15, v13;
	v8 =	vmul.f32 v9, v17;
	v12 =	vmul.f32 v12, v1  }
0xfa: {  	v10 =	vld [tilespmem:s25+$0x4000];
	v1 =	vmovc v2;
	v2 =	vmovc v3;
	v3 =	vmax.f32 v16, $1.000000020e-24;
	v16 =	vmul.f32 v18, v18;
	v14 =	vmul.f32 v7, v5  }
0xfb: {  	v11 =	vld [tilespmem:s25+$0x4001];
	v9 =	vshrl.u32 v3, $0x1;
	v5 =	vmovc v6;
	v6 =	vmul.f32 $5.000000000e-01, v3;
	v18 =	vmul.f32 v19, v19  }
.Ltmp3:
0xfc: {  	v13 =	vld [tilespmem:s25+$0x4180];
	v9 =	vsub.s32 $0x5F3759DF, v9;
	v17 =	vmul.f32 v8, v5;
	v12 =	vmin.f32 v12, $2.000000000e+00;
	(pc) =	sbr.rel @p0 .LBB2_9-.Ltmp3, $4  }
0xfd: {  	v15 =	vld [tilespmem:s25+$0x4181];
	v20 =	vmul.f32 v9, v6;
	v14 =	vmul.f32 v14, v7;
	v12 =	vsel vm4, $0x0, v12  }
0xfe: {  	vm4 =	vmand vm3, vm1;
	v21 =	vmul.f32 v17, v8;
	[tilespmem:s3+$0x4301] =	vst v12;
	v4 =	vadd.f32 v12, v4;
	s3 =	smov.u32 s17;
	s17 =	smov.u32 s18;
	s18 =	smov.u32 s19  }
0xff: {  	p1 =	seq.s32 s23, $0x3C0;
	vm3 =	vmmov vm0;
	s19 =	smov.u32 s20;
	s20 =	smov.u32 s25;
	v17 =	vmul.f32 v9, v20;
	v12 =	vsub.f32 $1.500000000e+00, v14  }
0x100: {  	s11 =	sadd.s32 $0x40, s11;
	s23 =	smov.u32 s22;
	s22 =	smov.u32 s24;
	vm3 =	vmneg @p1 vm3;
	v14 =	vsub.f32 $1.500000000e+00, v21  }
0x101: {  	_ = 	snop  }
0x102: {  	v10 =	vsub.f32 v11, v10;
	v30 =	vsub.f32 v15, v13;
	_ =	sdelay $0x1  }
0x103: {  	v31 =	vadd.f32 v18, v16;
	v10 =	vmul.f32 v10, v10;
	v11 =	vmul.f32 v30, v30;
	_ =	sdelay $0x1  }
0x104: {  	v13 =	vmax.f32 v31, $1.000000020e-24;
	v10 =	vadd.f32 v11, v10  }
0x105: {  	v32 =	vshrl.u32 v13, $0x1;
	v33 =	vmul.f32 $5.000000000e-01, v13  }
0x106: {  	v11 =	vsub.s32 $0x5F3759DF, v32;
	v10 =	vmax.f32 v10, $1.000000020e-24  }
0x107: {  	v34 =	vmul.f32 v11, v33;
	v35 =	vshrl.u32 v10, $0x1;
	v19 =	vmul.f32 $5.000000000e-01, v10  }
0x108: {  	v17 =	vsub.f32 $1.500000000e+00, v17;
	v18 =	vsub.s32 $0x5F3759DF, v35  }
0x109: {  	v16 =	vmul.f32 v11, v34;
	v20 =	vmul.f32 v18, v19  }
0x10a: {  	v9 =	vmul.f32 v9, v17  }
0x10b: {  	v16 =	vsub.f32 $1.500000000e+00, v16;
	v36 =	vmul.f32 v18, v20  }
0x10c: {  	v37 =	vmul.f32 v9, v6  }
0x10d: {  	v11 =	vmul.f32 v11, v16;
	v38 =	vsub.f32 $1.500000000e+00, v36  }
0x10e: {  	v8 =	vmul.f32 v14, v8;
	v39 =	vmul.f32 v37, v9  }
0x10f: {  	v40 =	vmul.f32 v11, v33;
	v16 =	vmul.f32 v18, v38  }
0x110: {  	v5 =	vmul.f32 v8, v5;
	v41 =	vsub.f32 $1.500000000e+00, v39  }
0x111: {  	v42 =	vmul.f32 v40, v11;
	v43 =	vmul.f32 v16, v19  }
0x112: {  	v5 =	vmul.f32 v5, v8;
	v9 =	vmul.f32 v41, v9  }
0x113: {  	v7 =	vmul.f32 v12, v7;
	v44 =	vsub.f32 $1.500000000e+00, v42;
	v45 =	vmul.f32 v43, v16  }
0x114: {  	v5 =	vsub.f32 $1.500000000e+00, v5;
	v46 =	vmul.f32 v9, v6  }
0x115: {  	v1 =	vmul.f32 v7, v1;
	v11 =	vmul.f32 v44, v11;
	v47 =	vsub.f32 $1.500000000e+00, v45  }
0x116: {  	vm3 =	vmand vm3, vm1;
	v5 =	vmul.f32 v5, v8;
	v6 =	vmul.f32 v46, v9  }
0x117: {  	v1 =	vmin.f32 v1, $2.000000000e+00;
	v48 =	vmul.f32 v11, v33;
	v12 =	vmul.f32 v47, v16  }
0x118: {  	v1 =	vsel vm4, $0x0, v1;
	vm4 =	vmmov vm0;
	v2 =	vmul.f32 v5, v2  }
0x119: {  	p0 =	seq.s32 s23, $0x3C0;
	v6 =	vsub.f32 $1.500000000e+00, v6;
	v7 =	vmul.f32 v48, v11;
	v49 =	vmul.f32 v12, v19  }
0x11a: {  	v4 =	vadd.f32 v1, v4;
	vm4 =	vmneg @p0 vm4;
	v2 =	vmin.f32 v2, $2.000000000e+00  }
0x11b: {  	v5 =	vmul.f32 v6, v9;
	v50 =	vsub.f32 $1.500000000e+00, v7;
	v51 =	vmul.f32 v49, v12  }
0x11c: {  	v2 =	vsel vm3, $0x0, v2;
	vm3 =	vmand vm4, vm1;
	vm4 =	vmmov vm0  }
0x11d: {  	p0 =	seq.s32 s22, $0x3C0;
	v3 =	vmul.f32 v5, v3;
	v5 =	vmul.f32 v50, v11;
	v52 =	vsub.f32 $1.500000000e+00, v51  }
0x11e: {  	v4 =	vadd.f32 v2, v4;
	vm4 =	vmneg @p0 vm4  }
0x11f: {  	v3 =	vmin.f32 v3, $2.000000000e+00;
	v5 =	vmul.f32 v5, v13;
	v6 =	vmul.f32 v52, v12  }
0x120: {  	vm4 =	vmand vm4, vm1;
	v3 =	vsel vm3, $0x0, v3;
	vm3 =	vmmov vm0  }
0x121: {  	p0 =	seq.s32 s21, $0x3C0;
	v4 =	vadd.f32 v3, v4;
	v5 =	vmin.f32 v5, $2.000000000e+00;
	v6 =	vmul.f32 v6, v10  }
0x122: {  	vm3 =	vmneg @p0 vm3;
	v5 =	vsel vm4, $0x0, v5  }
0x123: {  	vm3 =	vmand vm3, vm1;
	v4 =	vadd.f32 v5, v4;
	v6 =	vmin.f32 v6, $2.000000000e+00  }
0x124: {  	v6 =	vsel vm3, $0x0, v6  }
0x125: {  	v4 =	vadd.f32 v6, v4;
	_ =	sdelay $0x1  }
0x126: {  	[tilespmem:s3+$0x4301] =	vst v1;
	(xrf2) =	vadd.scan.msk.f32 $0xffff, v4  }
0x127: {  	[tilespmem:s17+$0x4301] =	vst v2  }
0x128: {  	[tilespmem:s18+$0x4301] =	vst v3  }
0x129: {  	[tilespmem:s19+$0x4301] =	vst v5  }
0x12a: {  	[tilespmem:s20+$0x4301] =	vst v6  }
0x12b: {  	v1 =	vld [tilespmem:$0x4301];
	_ =	sdelay $0x4  }
0x12c: {  	(v2sf) =	vpush v1, $0x0;
	v2, _, _ =	vpop (xrf2)  }
0x12d: {  	(v2sf) =	vpush v2, $0xF;
	_ =	sdelay $0xc  }
0x12e: {  	v2 =	vld [tilespmem:$0x4300]  }
0x12f: {  	s25 =	spop (v2sf)  }
0x130: {  	s11 =	spop (v2sf)  }
0x131: {  	s3 =	sadd.f32 s25, s11;
	_ =	sdelay $0x1  }
0x132: {  	v1 =	vsel vm2, v1, v2;
	v3 =	vmov s3  }
0x133: {  	s26 =	simm.s32 $0x0;
	[tilespmem:$0x4300] =	vst v1;
	v4 =	vmax.f32 v3, $9.999999680e-21  }
0x134: {  	v1 =	vld [tilespmem:s26+$0x4000];
	(erf) = vrcp.f32 v4;
	_ =	sdelay $0x4  }
0x135: {  	v5 =	vsub.f32 $0.0e+00, v1  }
0x136: {  	v4 =	vld [tilespmem:s26+$0x4180]  }
0x137: {  	v53 =	vtrunc.f32 v5  }
0x138: {  	v6 =	vcvt.f32.s32 v53  }
0x139: {  	v2 =	vld [tilespmem:s26+$0x4300];
	v1 =	vpop (erf)  }
0x13a: {  	v54 =	vcvt.s32.f32 v6;
	v1 =	vadd.f32 v1, v1  }
0x13b: {  	vm3 =	vlt.f32 v3, $2.000000000e+00;
	vm15 =	vlt.f32 v3, $2.219999940e-06;
	v3 =	vtrunc.f32 v4  }
0x13c: {  	v3 =	vcvt.f32.s32 v3;
	v1 =	vnsel vm3, $0x3F800000, v1  }
0x13d: {  	v5 =	vsub.f32 v5, v54;
	v1 =	vsel vm15, $0x0, v1  }
0x13e: {  	v56 =	vcvt.s32.f32 v3;
	v55 =	vmul.f32 v2, v1  }
0x13f: {  	v57 =	vsub.f32 $1.000000000e+00, v5;
	v2 =	vsel vm15, $0x3C000000, v0  }
0x140: {  	v4 =	vsub.f32 v4, v56;
	v8 =	vadd.f32 v55, v2;
	_ =	sdelay $0x1  }
0x141: {  	v58 =	vsub.f32 $1.000000000e+00, v4;
	v7 =	vmul.f32 v57, v8  }
0x142: {  	v6 =	vshll.u32 v6, $0x9  }
0x143: {  	s3 =	simm.s32 $0x48B0;
	v3 =	vadd.s32 v3, v6;
	v5 =	vmul.f32 v5, v8;
	v59 =	vmul.f32 v7, v58  }
0x144: {  	s18 =	simm.s32 $0x50B0;
	[tilespmem:s3+$0xFFFFFFD0] =	vst v3  }
0x145: {  	v60 =	vadd.s32 $0x200, v3;
	v8 =	vmul.f32 v58, v5;
	[tilespmem:s18+$0xFFFFFFD0] =	vst v59  }
0x146: {  	[tilespmem:s3+$0xFFFFFFE0] =	vst v60  }
0x147: {  	v62 =	vadd.s32 $0x1, v3;
	v61 =	vmul.f32 v7, v4;
	[tilespmem:s18+$0xFFFFFFE0] =	vst v8  }
0x148: {  	[tilespmem:s3+$0xFFFFFFF0] =	vst v62  }
0x149: {  	v63 =	vadd.s32 $0x201, v3;
	[tilespmem:s18+$0xFFFFFFF0] =	vst v61  }
0x14a: {  	s17 =	simm.s32 $0x50F0;
	s19 =	simm.s32 $0x40;
	s20 =	simm.s32 $0x80;
	v3 =	vmul.f32 v5, v4;
	[tilespmem:s3+$0x0] =	vst v63  }
.LBB2_11:
0x14b: {  	s21 =	sshra.s32 s19, $0x2;
	s3 =	sadd.s32 $0x40, s3  }
0x14c: {  	[tilespmem:s18+$0x0] =	vst v3;
	s19 =	smov.u32 s20;
	s11 =	sadd.s32 $0x40, s20;
	s18 =	smov.u32 s17  }
0x14d: {  	p0 =	sne.s32 s20, $0x3C0;
	v3 =	vld [tilespmem:s21+$0x4000];
	_ =	sdelay $0x3  }
0x14e: {  	v4 =	vld [tilespmem:s21+$0x4180]  }
0x14f: {  	v3 =	vsub.f32 $0.0e+00, v3;
	v5 =	vld [tilespmem:s21+$0x4300];
	_ =	sdelay $0x1  }
0x150: {  	v6 =	vtrunc.f32 v3  }
0x151: {  	v6 =	vcvt.f32.s32 v6  }
0x152: {  	v7 =	vtrunc.f32 v4  }
0x153: {  	v7 =	vcvt.f32.s32 v7;
	v8 =	vcvt.s32.f32 v6  }
0x154: {  	v5 =	vmul.f32 v5, v1;
	v6 =	vshll.u32 v6, $0x9  }
0x155: {  	v3 =	vsub.f32 v3, v8;
	v8 =	vcvt.s32.f32 v7;
	v6 =	vadd.s32 v7, v6  }
0x156: {  	v5 =	vadd.f32 v5, v2  }
0x157: {  	v4 =	vsub.f32 v4, v8;
	v7 =	vsub.f32 $1.000000000e+00, v3  }
0x158: {  	v8 =	vmul.f32 v3, v5  }
0x159: {  	v9 =	vsub.f32 $1.000000000e+00, v4;
	v5 =	vmul.f32 v7, v5  }
0x15a: {  	v3 =	vmul.f32 v8, v4  }
0x15b: {  	v7 =	vmul.f32 v5, v9;
	v4 =	vmul.f32 v5, v4  }
0x15c: {  	[tilespmem:s3+$0xFFFFFFD0] =	vst v6  }
0x15d: {  	v5 =	vadd.s32 $0x200, v6;
	[tilespmem:s17+$0xFFFFFFD0] =	vst v7;
	v7 =	vmul.f32 v9, v8  }
.Ltmp4:
0x15e: {  	[tilespmem:s3+$0xFFFFFFE0] =	vst v5;
	(pc) =	sbr.rel @p0 .LBB2_11-.Ltmp4, $4  }
0x15f: {  	v5 =	vadd.s32 $0x1, v6;
	[tilespmem:s17+$0xFFFFFFE0] =	vst v7  }
0x160: {  	[tilespmem:s3+$0xFFFFFFF0] =	vst v5  }
0x161: {  	[tilespmem:s17+$0xFFFFFFF0] =	vst v4;
	v4 =	vadd.s32 $0x201, v6  }
0x162: {  	s20 =	smov.u32 s11;
	s17 =	sadd.s32 $0x40, s17;
	[tilespmem:s3+$0x0] =	vst v4  }
0x163: {  	[tilespmem:s18+$0x0] =	vst v3;
	s11 =	sshra.s32 s19, $0x2  }
0x164: {  	v3 =	vld [tilespmem:s11+$0x4000];
	_ =	sdelay $0x3  }
0x165: {  	v4 =	vld [tilespmem:s11+$0x4180]  }
0x166: {  	v3 =	vsub.f32 $0.0e+00, v3  }
0x167: {  	v5 =	vld [tilespmem:s11+$0x4300]  }
0x168: {  	v6 =	vtrunc.f32 v3  }
0x169: {  	v6 =	vcvt.f32.s32 v6  }
0x16a: {  	v7 =	vtrunc.f32 v4  }
0x16b: {  	v7 =	vcvt.f32.s32 v7;
	v8 =	vcvt.s32.f32 v6  }
0x16c: {  	v1 =	vmul.f32 v5, v1  }
0x16d: {  	v61 =	vcvt.s32.f32 v7;
	v3 =	vsub.f32 v3, v8  }
0x16e: {  	v1 =	vadd.f32 v1, v2  }
0x16f: {  	v2 =	vsub.f32 v4, v61;
	v62 =	vsub.f32 $1.000000000e+00, v3;
	_ =	sdelay $0x1  }
0x170: {  	v5 =	vsub.f32 $1.000000000e+00, v2;
	v4 =	vmul.f32 v62, v1  }
0x171: {  	v6 =	vshll.u32 v6, $0x9  }
0x172: {  	s3 =	sadd.s32 $0x40, s3;
	v6 =	vadd.s32 v7, v6;
	v1 =	vmul.f32 v3, v1;
	v3 =	vmul.f32 v4, v5  }
0x173: {  	[tilespmem:s3+$0xFFFFFFD0] =	vst v6  }
0x174: {  	v5 =	vmul.f32 v5, v1;
	[tilespmem:s17+$0xFFFFFFD0] =	vst v3;
	v3 =	vadd.s32 $0x200, v6  }
0x175: {  	[tilespmem:s3+$0xFFFFFFE0] =	vst v3  }
0x176: {  	v63 =	vadd.s32 $0x1, v6;
	v3 =	vmul.f32 v4, v2;
	[tilespmem:s17+$0xFFFFFFE0] =	vst v5  }
0x177: {  	[tilespmem:s3+$0xFFFFFFF0] =	vst v63  }
0x178: {  	v1 =	vmul.f32 v1, v2;
	v2 =	vadd.s32 $0x201, v6;
	[tilespmem:s17+$0xFFFFFFF0] =	vst v3  }
0x179: {  	[tilespmem:s3+$0x0] =	vst v2  }
0x17a: {  	[tilespmem:s17+$0x0] =	vst v1  }
0x17b: {  	s25 =	simm.s32 $0x4480;
	s26 =	simm.s32 $0x4C80;
	[bflag:$0x0] =	sbarrier.arrive $0xFFFF  }
0x17c: {  	[spmem:s2] =	stream.indirect.scatter.add.f32 [tilespmem:s26], [sflag:$0x1], $0x1, s25, s13, $0xb8;
	[tilespmem:$0x9480] =	vst v63  }
0x17d: {  	_ =	swait.ge [sflag:s12], $0x80  }
0x17e: {  	[sflag:s12] =	ssyncset.done $0x0  }
0x17f: {  	s18 =	simm.s32 $0x4D00;
	s17 =	simm.s32 $0x4500;
	[sflag:s12] =	ssyncadd.s32 $0xFFFFFF80  }
0x180: {  	[spmem:s2] =	stream.indirect.scatter.add.f32 [tilespmem:s18], [sflag:$0x1], $0x1, s17, s13, $0xb8;
	[tilespmem:$0x9480] =	vst v63  }
0x181: {  	_ =	swait.ge [sflag:s12], $0x80  }
0x182: {  	[sflag:s12] =	ssyncset.done $0x0  }
0x183: {  	s19 =	simm.s32 $0x4580;
	s20 =	simm.s32 $0x4D80;
	[sflag:s12] =	ssyncadd.s32 $0xFFFFFF80  }
0x184: {  	[spmem:s2] =	stream.indirect.scatter.add.f32 [tilespmem:s20], [sflag:$0x1], $0x1, s19, s13, $0xb8;
	[tilespmem:$0x9480] =	vst v63  }
0x185: {  	_ =	swait.ge [sflag:s12], $0x80  }
0x186: {  	[sflag:s12] =	ssyncset.done $0x0  }
0x187: {  	s21 =	simm.s32 $0x4600;
	s22 =	simm.s32 $0x4E00;
	[sflag:s12] =	ssyncadd.s32 $0xFFFFFF80  }
0x188: {  	[spmem:s2] =	stream.indirect.scatter.add.f32 [tilespmem:s22], [sflag:$0x1], $0x1, s21, s13, $0xb8;
	[tilespmem:$0x9480] =	vst v63  }
0x189: {  	_ =	swait.ge [sflag:s12], $0x80  }
0x18a: {  	[sflag:s12] =	ssyncset.done $0x0  }
0x18b: {  	s23 =	simm.s32 $0x4680;
	s24 =	simm.s32 $0x4E80;
	[sflag:s12] =	ssyncadd.s32 $0xFFFFFF80  }
0x18c: {  	[spmem:s2] =	stream.indirect.scatter.add.f32 [tilespmem:s24], [sflag:$0x1], $0x1, s23, s13, $0xb8;
	[tilespmem:$0x9480] =	vst v63  }
0x18d: {  	_ =	swait.ge [sflag:s12], $0x80  }
0x18e: {  	[sflag:s12] =	ssyncset.done $0x0  }
0x18f: {  	s25 =	simm.s32 $0x4700;
	s26 =	simm.s32 $0x4F00;
	[sflag:s12] =	ssyncadd.s32 $0xFFFFFF80  }
0x190: {  	[spmem:s2] =	stream.indirect.scatter.add.f32 [tilespmem:s26], [sflag:$0x1], $0x1, s25, s13, $0xb8;
	[tilespmem:$0x9480] =	vst v63  }
0x191: {  	_ =	swait.ge [sflag:s12], $0x80  }
0x192: {  	[sflag:s12] =	ssyncset.done $0x0  }
0x193: {  	s17 =	simm.s32 $0x4780;
	s18 =	simm.s32 $0x4F80;
	[sflag:s12] =	ssyncadd.s32 $0xFFFFFF80  }
0x194: {  	[spmem:s2] =	stream.indirect.scatter.add.f32 [tilespmem:s18], [sflag:$0x1], $0x1, s17, s13, $0xb8;
	[tilespmem:$0x9480] =	vst v63  }
0x195: {  	_ =	swait.ge [sflag:s12], $0x80  }
0x196: {  	[sflag:s12] =	ssyncset.done $0x0  }
0x197: {  	s19 =	simm.s32 $0x4800;
	s20 =	simm.s32 $0x5000;
	[sflag:s12] =	ssyncadd.s32 $0xFFFFFF80  }
0x198: {  	[spmem:s2] =	stream.indirect.scatter.add.f32 [tilespmem:s20], [sflag:$0x1], $0x1, s19, s13, $0xb8;
	[tilespmem:$0x9480] =	vst v63  }
0x199: {  	_ =	swait.ge [sflag:s12], $0x80  }
0x19a: {  	[sflag:s12] =	ssyncset.done $0x0  }
0x19b: {  	s21 =	simm.s32 $0x4880;
	s22 =	simm.s32 $0x5080;
	[sflag:s12] =	ssyncadd.s32 $0xFFFFFF80  }
0x19c: {  	[spmem:s2] =	stream.indirect.scatter.add.f32 [tilespmem:s22], [sflag:$0x1], $0x1, s21, s13, $0xb8;
	[tilespmem:$0x9480] =	vst v63  }
0x19d: {  	_ =	swait.ge [sflag:s12], $0x80  }
0x19e: {  	[sflag:s12] =	ssyncset.done $0x0  }
0x19f: {  	s23 =	simm.s32 $0x4900;
	s24 =	simm.s32 $0x5100;
	[sflag:s12] =	ssyncadd.s32 $0xFFFFFF80  }
0x1a0: {  	[spmem:s2] =	stream.indirect.scatter.add.f32 [tilespmem:s24], [sflag:$0x1], $0x1, s23, s13, $0xb8;
	[tilespmem:$0x9480] =	vst v63  }
0x1a1: {  	_ =	swait.ge [sflag:s12], $0x80  }
0x1a2: {  	[sflag:s12] =	ssyncset.done $0x0  }
0x1a3: {  	s25 =	simm.s32 $0x4980;
	s26 =	simm.s32 $0x5180;
	[sflag:s12] =	ssyncadd.s32 $0xFFFFFF80  }
0x1a4: {  	[spmem:s2] =	stream.indirect.scatter.add.f32 [tilespmem:s26], [sflag:$0x1], $0x1, s25, s13, $0xb8;
	[tilespmem:$0x9480] =	vst v63  }
0x1a5: {  	_ =	swait.ge [sflag:s12], $0x80  }
0x1a6: {  	[sflag:s12] =	ssyncset.done $0x0  }
0x1a7: {  	s11 =	simm.s32 $0x4A00;
	s17 =	simm.s32 $0x5200;
	[sflag:s12] =	ssyncadd.s32 $0xFFFFFF80  }
0x1a8: {  	[spmem:s2] =	stream.indirect.scatter.add.f32 [tilespmem:s17], [sflag:$0x1], $0x1, s11, s13, $0xb8;
	[tilespmem:$0x9480] =	vst v63  }
0x1a9: {  	_ =	swait.ge [sflag:s12], $0x80  }
0x1aa: {  	[sflag:s12] =	ssyncset.done $0x0  }
0x1ab: {  	s18 =	simm.s32 $0x4A80;
	s19 =	simm.s32 $0x5280;
	[sflag:s12] =	ssyncadd.s32 $0xFFFFFF80  }
0x1ac: {  	[spmem:s2] =	stream.indirect.scatter.add.f32 [tilespmem:s19], [sflag:$0x1], $0x1, s18, s13, $0xb8;
	[tilespmem:$0x9480] =	vst v63  }
0x1ad: {  	_ =	swait.ge [sflag:s12], $0x80  }
0x1ae: {  	[sflag:s12] =	ssyncset.done $0x0  }
0x1af: {  	s20 =	simm.s32 $0x4B00;
	s21 =	simm.s32 $0x5300;
	[sflag:s12] =	ssyncadd.s32 $0xFFFFFF80  }
0x1b0: {  	[spmem:s2] =	stream.indirect.scatter.add.f32 [tilespmem:s21], [sflag:$0x1], $0x1, s20, s13, $0xb8;
	[tilespmem:$0x9480] =	vst v63  }
0x1b1: {  	_ =	swait.ge [sflag:s12], $0x80  }
0x1b2: {  	[sflag:s12] =	ssyncset.done $0x0  }
0x1b3: {  	[sflag:s12] =	ssyncadd.s32 $0xFFFFFF80  }
0x1b4: {  	[spmem:s2] =	stream.indirect.scatter.add.f32 [tilespmem:s29], [sflag:$0x1], $0x1, s28, s13, $0xb8;
	[tilespmem:$0x9480] =	vst v63  }
0x1b5: {  	_ =	swait.ge [sflag:s12], $0x80  }
0x1b6: {  	[sflag:s12] =	ssyncset.done $0x0  }
0x1b7: {  	s4 =	sshll.u32 s4, $0xF;
	s22 =	sshll.u32 s10, $0x4;
	[sflag:s12] =	ssyncadd.s32 $0xFFFFFF80  }
0x1b8: {  	[spmem:s2] =	stream.indirect.scatter.add.f32 [tilespmem:s31], [sflag:$0x1], $0x1, s30, s13, $0xb8;
	[tilespmem:$0x9480] =	vst v63  }
0x1b9: {  	s4 =	sand.u32 $0x3C0000, s4;
	s3 =	sand.u32 $0x70, s22;
	_ =	swait.ge [sflag:s12], $0x80  }
0x1ba: {  	s3 =	sadd.s32 s3, s9;
	s23 =	stileid.u32;
	[sflag:s12] =	ssyncset.done $0x0  }
0x1bb: {  	s3 =	sadd.s32 s4, s3;
	s11 =	sshll.u32 s23, $0x6;
	[sflag:s12] =	ssyncadd.s32 $0xFFFFFF80  }
0x1bc: {  	s25 =	sshrl.u32 s6, $0x3;
	s24 =	sor.u32 $0x1C01, s11;
	[bflag:$0x0] =	sbarrier.arrive $0xFFFF  }
0x1bd: {  	[hbm:s3@s13], [sflag:s24] =	dma.strided [spmem:s25@s0], $0x800, s12, $0x10   }
0x1be: {  	s10 =	sadd.s32 $0x1, s10;
	_ =	swait.ge [sflag:s12], $0x800  }
0x1bf: {  	p0 =	sne.s32 s10, $0x40;
	[sflag:s12] =	ssyncset.done $0x0  }
.Ltmp5:
0x1c0: {  	s26 =	simm.s32 $0x5480;
	[sflag:s12] =	ssyncadd.s32 $0xFFFFF800;
	(pc) =	sbr.rel @p0 .LBB2_4-.Ltmp5, $4  }
0x1c1: {  	[spmem:s6] =	stream.linear.scatter [tilespmem:s26], [sflag:$0x1], $0x4000, $0x38;
	[tilespmem:$0x9480] =	vst v63  }
0x1c2: {  	_ =	swait.ge [sflag:s12], $0x4000  }
0x1c3: {  	[sflag:s12] =	ssyncset.done $0x0  }
0x1c4: {  	[sflag:s12] =	ssyncadd.s32 $0xFFFFC000  }
0x1c5: {  	s10 =	rddreg [dreg:$0x4]  }
0x1c6: {  	s3 =	rddreg [dreg:$0x5];
	s10 =	sadd.s32 $0x1, s10  }
0x1c7: {  	p0 =	sne.s32 s10, s3  }
.Ltmp6:
0x1c8: {  	_ = 	snop;
	(pc) =	sbr.rel @p0 .LBB2_1-.Ltmp6, $1  }
0x1c9: {  	_ =	sdelay $0x3  }
0x1ca: {  	_ =	sfence.sel $0x180000  }
0x1cb: {  	[bflag:$0x0] =	sbarrier.arrive $0xFFFF  }
0x1cc: {  	_ =	strace $0x90000047  }
0x1cd: {  	s0 =	stileid.u32;
	[bflag:$0x2] =	sbarrier.arrive $0xFFFF  }
0x1ce: {  	p0 =	sne.s32 s0, $0x0;
	s0 =	rddreg [dreg:$0x3]  }
0x1cf: {  	s0 =	sadd.s32 @!p0 $0x100000, s0  }
0x1d0: {  	[sflag:s0] =	ssyncadd.tile.s32 @!p0 $0x1;
	_ =	shalt  }
.Lfunc_end2:
_tile_overlayer_lowered:
.L_overlay_start_2:
0x1d1: {  	(tag) =	ssettag $0x2  }
0x1d2: {  	s0 =	rddreg [dreg:$0x0];
	s2 =	stileid.u32  }
0x1d3: {  	s1 =	rddreg [dreg:$0x1];
	p0 =	sne.s32 s2, $0x0  }
0x1d4: {  	s3 =	rddreg [dreg:$0x2];
	[bflag:$0x3] =	sbarrier.arrive $0xFFFF;
	s2 =	simm.s32 @!p0 $0x1C01  }
0x1d5: {  	[timem:s3], [sflag:s2] =	dma.local @!p0 [hbm:s0], s1  }
0x1d6: {  	s0 =	simm.s32 @!p0 $0x1  }
0x1d7: {  	_ =	swait.ge @!p0 [sflag:s0], s1  }
0x1d8: {  	s1 =	ssub.s32 @!p0 $0x0, s1;
	[sflag:s0] =	ssyncset.done @!p0 $0x0  }
0x1d9: {  	[sflag:s0] =	ssyncadd.s32 @!p0 s1  }
0x1da: {  	[bflag:$0x3] =	sbarrier.arrive $0xFFFF  }
0x1db: {  	_ =	shalt  }

// kernel: sparse-core-data-format-call.cloned.1.call-start
scs
called_computation_lowered:
.L_overlay_start_0:
0x0: {  	s2 =	sld [smem:$0x3FD9]  }
0x1: {  	s3 =	sld [smem:$0x3FFE];
	_ =	sdelay $0x1  }
0x2: {  	s1 =	srdreg.scid  }
0x3: {  	s0 =	sand.u32 $0x1, s1  }
0x4: {  	s18 =	sshll.u32 s0, $0xA;
	s2 =	sadd.s32 s3, s2  }
0x5: {  	s2 =	sadd.s32 s2, s18  }
0x6: {  	[smem:$0x3FC7] =	sst s2  }
0x7: {  	_ = 	snop  }
0x8: {  	s2 =	sld [smem:$0x3FD0];
	(tm) =	ssettm $0x1  }
0x9: {  	s19 =	sld [smem:$0x3FFB];
	_ =	sdelay $0x3  }
0xa: {  	_ =	strace s19  }
0xb: {  	s3 =	sld [smem:$0x3FFC];
	_ =	sdelay $0x3  }
0xc: {  	_ =	strace s3  }
0xd: {  	s3 =	sld [smem:$0x3FFD];
	_ =	sdelay $0x3  }
0xe: {  	_ =	strace s3  }
0xf: {  	_ =	strace $0x8FFFFFFF  }
0x10: {  	s20 =	sld [smem:$0x3FDB];
	_ =	sdelay $0x1  }
0x11: {  	s4 =	simm.s32 $_scs_section_size  }
0x12: {  	s5 =	simm.s32 $_size__tile_overlayer_lowered;
	s6 =	simm.s32 $_tile_overlayer_lowered  }
0x13: {  	s23 =	simm.s32 $0x1BFF;
	s22 =	sshll.u32 s6, $0x1;
	s3 =	sadd.s32 s4, s20  }
0x14: {  	s7 =	simm.s32 $0x0;
	s21 =	sshll.u32 s5, $0x1;
	s5 =	sadd.s32 s22, s3  }
0x15: {  	[timem:s7], [sflag:s23] =	dma.local [hbm:s5], s21  }
0x16: {  	_ =	swait.ge [sflag:s23], s21  }
0x17: {  	s4 =	ssub.s32 $0x0, s21;
	[sflag:s23] =	ssyncset.done $0x0  }
0x18: {  	[sflag:s23] =	ssyncadd.s32 s4;
	_ =	sdelay $0x1  }
0x19: {  	s24 =	simm.s32 $0x1B8B  }
0x1a: {  	_ =	swait.ge [sflag:s24], $0x1  }
0x1b: {  	[sflag:s24] =	ssyncset.done $0x0  }
0x1c: {  	s26 =	simm.s32 $0x1B8E;
	s25 =	sld [smem:$0x3FFE];
	[sflag:s24] =	ssyncadd.s32 $0xFFFFFFFF  }
0x1d: {  	s27 =	simm.s32 $execute0_lowered;
	[smem:$0x3FD2] =	sst s26  }
0x1e: {  	s5 =	sshll.u32 s27, $0x1;
	_ =	strace $0x80000049;
	[dreg:$0x1] =	wrdreg $0xFFFFFFFF  }
0x1f: {  	s28 =	simm.s32 $_size_execute0_lowered;
	s3 =	sadd.s32 s3, s5;
	[dreg:$0x0] =	wrdreg $0x0  }
0x20: {  	s5 =	sshll.u32 s28, $0x1;
	[dreg:$0x2] =	wrdreg s3  }
0x21: {  	[dreg:$0x3] =	wrdreg s5  }
0x22: {  	[dreg:$0x4] =	wrdreg $0xC0  }
0x23: {  	_ =	task [dreg:s7], $0x5FFFF  }
0x24: {  	[dreg:$0x1] =	wrdreg $0xFFFFFFFF  }
0x25: {  	[dreg:$0x0] =	wrdreg $0x60  }
0x26: {  	[dreg:$0x2] =	wrdreg s25  }
0x27: {  	[dreg:$0x3] =	wrdreg s2  }
0x28: {  	[dreg:$0x4] =	wrdreg $0x9  }
0x29: {  	_ =	task.clear_ibuf [dreg:s7], $0x5FFFF;
	_ =	strace $0x90000049  }
0x2a: {  	s29 =	simm.s32 $0x9;
	_ =	strace $0x8000004B  }
0x2b: {  	_ =	swait.ge [sflag:s29], $0x1  }
0x2c: {  	[sflag:s29] =	ssyncadd.s32 $0xFFFFFFFF  }
0x2d: {  	_ =	strace $0x9000004B  }
0x2e: {  	_ =	sfence  }
0x2f: {  	s30 =	sld [smem:$0x0];
	_ =	sdelay $0x2  }
0x30: {  	s31 =	sshll.u32 s1, $0xD;
	s1 =	sshrl.u32 s1, $0x2  }
0x31: {  	s3 =	sand.u32 $0x4000, s31;
	s1 =	sadd.s32 s1, s30  }
0x32: {  	s0 =	sor.u32 s3, s0;
	s1 =	sshll.u32 s1, $0x11  }
0x33: {  	s0 =	sor.u32 s1, s0  }
0x34: {  	s0 =	sadd.s32 $0x8F2B, s0  }
0x35: {  	[sflag:s0] =	ssyncadd.remote.s32 $0x1  }
0x36: {  	_ =	sfence.sel $0xFFFF  }
0x37: {  	[dreg:$0x0] =	wrdreg $0xFFFFFFFF;
	(pc) =	sbr.abs _section_cstart, $3  }
0x38: {  	[dreg:$0x1] =	wrdreg $0xFFFFFFFF  }
0x39: {  	_ =	task.clear_ibuf [dreg:s7], $0x2FFFF;
	_ =	strace $0x9FFFFFFF  }
0x3a: {  	(tm) =	ssettm $0x7FFFFFFF  }
0x3b: {  	_ =	shalt  }
tec
execute0_lowered:
.L_overlay_start_1:
0x0: {  	(tag) =	ssettag $0x1  }
0x1: {  	s0 =	rddreg [dreg:$0x0];
	s2 =	srdreg.scid  }
0x2: {  	s1 =	rddreg [dreg:$0x1];
	_ =	strace $0x8000004A;
	s4 =	simm.s32 $0x1  }
0x3: {  	s6 =	simm.s32 $0x2;
	s15 =	simm.s32 $0x0;
	s8 =	simm.s32 $0x40000  }
0x4: {  	s9 =	simm.s32 $0x0;
	s16 =	simm.s32 $0x0;
	s18 =	simm.s32 $0x0  }
0x5: {  	s17 =	simm.s32 $0x0;
	s10 =	simm.s32 $0x0;
	s2 =	sshll.u32 s2, $0x3  }
0x6: {  	s11 =	simm.s32 $0x0;
	s13 =	stileid.u32;
	s2 =	sand.u32 $0x8, s2  }
.Ltmp0:
0x7: {  	s14 =	simm.s32 $0x0;
	s3 =	ssub.s32 $0x200, s2;
	(pc) =	sbr.rel .LBB1_1-.Ltmp0, $4  }
0x8: {  	s24 =	simm.s32 $0x0;
	s5 =	sadd.s32 $0x20C00, s0;
	s31 =	sshrl.u32 s3, $0x3  }
0x9: {  	[sflag:s4] =	ssyncpa.u1 $0x0;
	s7 =	sshrl.u32 s3, $0x4;
	s0 =	sand.u32 $0x1, s31  }
0xa: {  	[sflag:s6] =	ssyncpa.u1 $0x0;
	s12 =	smov.u32 s2;
	s0 =	sadd.s32 s7, s0  }
0xb: {  	s3 =	stileid.u32;
	s6 =	sshll.u32 s0, $0x1;
	s7 =	sshllo.u32 s0, $0x1  }
.LBB1_7:
0xc: {  	s0 =	sadd.s32 $0x100, s10  }
0xd: {  	s15 =	sadd.s32 $0x8, s11;
	s19 =	smov.u32 s11;
	p1 =	sgt.s32 s0, $0x1FF  }
0xe: {  	s19 =	smov.u32 @p1 s15  }
0xf: {  	s20 =	smov.u32 s12;
	s15 =	sadd.s32 $0x10, s12;
	p2 =	sgt.s32 s19, $0x7  }
0x10: {  	s20 =	smov.u32 @p2 s15  }
0x11: {  	s21 =	smov.u32 s13;
	s15 =	sadd.s32 $0x10, s13;
	p3 =	sgt.s32 s20, $0x1FF  }
0x12: {  	p0 =	slt.u32 s14, $0x2;
	s21 =	smov.u32 @p3 s15  }
0x13: {  	s16 =	smov.u32 s11;
	s0 =	simm.s32 @p1 $0x0;
	p1 =	sgt.s32 s21, $0xF  }
0x14: {  	s22 =	simm.s32 @!p0 $0x2;
	s21 =	smov.u32 @p1 s3;
	p1 =	sne.s32 s14, s7  }
.Ltmp1:
0x15: {  	s18 =	smov.u32 s12;
	_ =	swait.ge @!p0 [sflag:s22], $0x4000;
	(pc) =	sbr.rel @!p1 .LBB1_8-.Ltmp1, $4  }
0x16: {  	s17 =	smov.u32 s13;
	[sflag:s22] =	ssyncset.done @!p0 $0x0;
	s19 =	simm.s32 @p2 $0x0  }
0x17: {  	s9 =	sadd.s32 $0x4000, s9;
	[sflag:s22] =	ssyncadd.s32 @!p0 $0xFFFFC000;
	s11 =	smov.u32 s19  }
0x18: {  	s20 =	smov.u32 @p3 s2;
	s15 =	smov.u32 s10;
	s10 =	smov.u32 s0  }
0x19: {  	s12 =	smov.u32 s20;
	s14 =	sadd.s32 $0x1, s14;
	s13 =	smov.u32 s21  }
.LBB1_1:
0x1a: {  	p0 =	sge.u32 s14, s6  }
0x1b: {  	s31 =	sadd.s32 $0xFFFFFFFF, s14;
	s0 =	sxor.u32 @!p0 $0xFFFFFFFF, s14;
	s19 =	sshll.u32 @!p0 s10, $0x3  }
0x1c: {  	s20 =	sshll.u32 @!p0 s11, $0x7;
	s21 =	sand.u32 @!p0 $0x78, s10;
	s22 =	sshll.u32 @!p0 s13, $0x12  }
0x1d: {  	s23 =	sshll.u32 @!p0 s12, $0x9;
	s0 =	sshll.u32 @!p0 s0, $0xE;
	s20 =	sand.u32 @!p0 $0x380, s20  }
0x1e: {  	s19 =	sand.u32 @!p0 $0xC00, s19;
	s0 =	sand.u32 @!p0 $0x4000, s0;
	s20 =	sor.u32 @!p0 s21, s20  }
0x1f: {  	s21 =	sand.u32 @!p0 $0x7, s10;
	s19 =	sor.u32 @!p0 s19, s20;
	s20 =	sadd.s32 @!p0 s5, s22  }
0x20: {  	s21 =	sshll.u32 @!p0 s21, $0x12;
	s19 =	sshrl.u32 @!p0 s19, $0x3;
	s20 =	sadd.s32 @!p0 s23, s20  }
0x21: {  	s19 =	sadd.s32 @!p0 s19, s20;
	s20 =	sor.u32 @!p0 $0x800, s21;
	s21 =	simm.s32 @!p0 $0x1000  }
0x22: {  	[tilespmem:s0], [sflag:$0x1] =	stream.strided.gather @!p0 [hbm4b:s19+s20], $0x4000, s21, s20, $0x38;
	[tilespmem:$0x10000] =	vst v63  }
0x23: {  	p0 =	sge.u32 s31, s6  }
.Ltmp2:
0x24: {  	_ = 	snop;
	(pc) =	sbr.rel @p0 .LBB1_7-.Ltmp2, $1  }
0x25: {  	_ =	sdelay $0x3  }
0x26: {  	s0 =	sshll.u32 s9, $0x2;
	_ =	swait.ge [sflag:s4], $0x4000;
	s19 =	sshll.u32 s14, $0xE  }
0x27: {  	p0 =	por $0x0, $0x0;
	s25 =	simm.s32 $0x0;
	s26 =	simm.s32 $0x0  }
0x28: {  	s0 =	sand.u32 $0x10000, s0;
	[sflag:s4] =	ssyncset.done $0x0;
	s22 =	sand.u32 $0x4000, s19  }
0x29: {  	s0 =	sshrl.u32 s0, $0x2;
	[sflag:s4] =	ssyncadd.s32 $0xFFFFC000;
	s19 =	sor.u32 $0x8000, s22  }
0x2a: {  	s20 =	sor.u32 $0x40, s0;
	s21 =	sor.u32 $0x8410, s0;
	s23 =	sadd.s32 $0x8400, s0  }
.LBB1_3:
0x2b: {  	v1 =	vld [tilespmem:s20+$0xFFFFFFD0]  }
0x2c: {  	v2 =	vld [tilespmem:s20+$0x430]  }
0x2d: {  	s0 =	sshll.u32 s26, $0xB;
	v4 =	vld [tilespmem:s20+$0xFFFFFFE0]  }
0x2e: {  	v7 =	vld [tilespmem:s20+$0xFFFFFFF0];
	v0 =	vmov s0  }
0x2f: {  	v8 =	vld [tilespmem:s20+$0x0]  }
0x30: {  	v9 =	vld [tilespmem:s20+$0x10];
	s0 =	sand.u32 $0x300, s24  }
0x31: {  	s27 =	sand.u32 $0x80, s24;
	v10 =	vld [tilespmem:s20+$0x20];
	s0 =	sadd.s32 s0, s22  }
0x32: {  	v11 =	vld [tilespmem:s20+$0x30];
	s0 =	sadd.s32 s27, s0;
	s27 =	simm.s32 $0x1;
	[tilespmem:s21+$0x60] =	vst v2  }
0x33: {  	s27 =	simm.s32 @!p0 $0x0;
	[tilespmem:s21+$0xFFFFFC00] =	vst v1;
	v3 =	vld.idx.msk [tilespmem:v0+s0+$0x400 ss:$0x1], $0xffff;
	s0 =	sshll.u32 s25, $0x2  }
0x34: {  	v6 =	vld [tilespmem:s20+$0x3D0];
	s27 =	sshll.u32 s27, $0x9;
	[tilespmem:s21+$0xFFFFFC10] =	vst v4;
	s0 =	sand.u32 $0xFFFFFC00, s0  }
0x35: {  	v5 =	vld [tilespmem:s20+$0x3E0];
	[tilespmem:s21+$0xFFFFFC20] =	vst v7;
	s0 =	sor.u32 s27, s0  }
0x36: {  	[tilespmem:s21+$0xFFFFFC30] =	vst v8;
	v4 =	vld [tilespmem:s20+$0x400];
	s0 =	sshrl.u32 s0, $0x2  }
0x37: {  	[tilespmem:s21+$0xFFFFFC40] =	vst v9;
	v1 =	vld [tilespmem:s20+$0x410];
	s27 =	sadd.s32 s0, s23  }
0x38: {  	[tilespmem:s27+$0x0] =	vst v3;
	v3 =	vld [tilespmem:s20+$0x3F0]  }
0x39: {  	s31 =	simm.s32 $0x80;
	s30 =	simm.s32 $0x100;
	[tilespmem:s21+$0xFFFFFC50] =	vst v10;
	v2 =	vld [tilespmem:s20+$0x420]  }
0x3a: {  	s28 =	sadd.s32 $0x80, s20;
	s29 =	smov.u32 s21;
	v7 =	vld [tilespmem:s20+$0xFFFFFFC0];
	[tilespmem:s21+$0xFFFFFC60] =	vst v11;
	s0 =	sand.u32 $0x300, s31  }
.LBB1_4:
0x3b: {  	p1 =	sne.s32 s30, $0x380;
	v8 =	vld [tilespmem:s28+$0xFFFFFFD0];
	s31 =	sand.u32 $0x80, s31;
	s0 =	sadd.s32 s0, s22;
	[tilespmem:s29+$0x0] =	vst v6  }
0x3c: {  	s0 =	sadd.s32 s31, s0;
	v6 =	vld [tilespmem:s28+$0x430];
	[tilespmem:s29+$0x10] =	vst v5;
	s31 =	smov.u32 s30  }
0x3d: {  	v5 =	vld.idx.msk [tilespmem:v0+s0+$0x400 ss:$0x1], $0xffff;
	[tilespmem:s29+$0x20] =	vst v3  }
0x3e: {  	v3 =	vld [tilespmem:s28+$0xFFFFFFE0];
	[tilespmem:s29+$0x30] =	vst v4  }
0x3f: {  	v4 =	vld [tilespmem:s28+$0xFFFFFFF0];
	[tilespmem:s29+$0xFFFFFBF0] =	vst v7  }
0x40: {  	v7 =	vld [tilespmem:s28+$0x0];
	[tilespmem:s29+$0x40] =	vst v1  }
0x41: {  	v1 =	vld [tilespmem:s28+$0x10];
	[tilespmem:s29+$0x50] =	vst v2;
	s29 =	sadd.s32 $0x800, s29  }
0x42: {  	s27 =	sadd.s32 $0x800, s27;
	v2 =	vld [tilespmem:s28+$0x20];
	[tilespmem:s29+$0x60] =	vst v6  }
0x43: {  	v9 =	vld [tilespmem:s28+$0x30];
	[tilespmem:s27+$0x0] =	vst v5  }
0x44: {  	[tilespmem:s29+$0xFFFFFC00] =	vst v8;
	v6 =	vld [tilespmem:s28+$0x3D0]  }
0x45: {  	[tilespmem:s29+$0xFFFFFC10] =	vst v3;
	v5 =	vld [tilespmem:s28+$0x3E0]  }
.Ltmp3:
0x46: {  	[tilespmem:s29+$0xFFFFFC20] =	vst v4;
	v3 =	vld [tilespmem:s28+$0x3F0];
	(pc) =	sbr.rel @p1 .LBB1_4-.Ltmp3, $4  }
0x47: {  	[tilespmem:s29+$0xFFFFFC30] =	vst v7;
	v4 =	vld [tilespmem:s28+$0x400]  }
0x48: {  	[tilespmem:s29+$0xFFFFFC40] =	vst v1;
	v1 =	vld [tilespmem:s28+$0x410]  }
0x49: {  	[tilespmem:s29+$0xFFFFFC50] =	vst v2;
	v2 =	vld [tilespmem:s28+$0x420]  }
0x4a: {  	s30 =	sadd.s32 $0x80, s30;
	s0 =	sand.u32 $0x300, s31;
	v7 =	vld [tilespmem:s28+$0xFFFFFFC0];
	[tilespmem:s29+$0xFFFFFC60] =	vst v9;
	s28 =	sadd.s32 $0x80, s28  }
0x4b: {  	[tilespmem:s29+$0x0] =	vst v6  }
0x4c: {  	[tilespmem:s29+$0x10] =	vst v5  }
0x4d: {  	v49 =	vld [tilespmem:s28+$0x430];
	[tilespmem:s29+$0x20] =	vst v3  }
0x4e: {  	v50 =	vld [tilespmem:s28+$0xFFFFFFD0];
	[tilespmem:s29+$0x30] =	vst v4  }
0x4f: {  	v51 =	vld [tilespmem:s28+$0xFFFFFFE0];
	[tilespmem:s29+$0x40] =	vst v1  }
0x50: {  	v52 =	vld [tilespmem:s28+$0xFFFFFFF0];
	[tilespmem:s29+$0x50] =	vst v2  }
0x51: {  	s30 =	sand.u32 $0x80, s31;
	s31 =	sadd.s32 $0x800, s29;
	v53 =	vld [tilespmem:s28+$0x0];
	[tilespmem:s29+$0xFFFFFBF0] =	vst v7  }
0x52: {  	v54 =	vld [tilespmem:s28+$0x10];
	[tilespmem:s31+$0x60] =	vst v49  }
0x53: {  	v55 =	vld [tilespmem:s28+$0x20];
	[tilespmem:s31+$0xFFFFFC00] =	vst v50  }
0x54: {  	v56 =	vld [tilespmem:s28+$0x30];
	[tilespmem:s31+$0xFFFFFC10] =	vst v51  }
0x55: {  	v57 =	vld [tilespmem:s28+$0x3D0];
	[tilespmem:s31+$0xFFFFFC20] =	vst v52  }
0x56: {  	v58 =	vld [tilespmem:s28+$0x3E0];
	[tilespmem:s31+$0xFFFFFC30] =	vst v53  }
0x57: {  	v59 =	vld [tilespmem:s28+$0x3F0];
	[tilespmem:s31+$0xFFFFFC40] =	vst v54  }
0x58: {  	v60 =	vld [tilespmem:s28+$0x400];
	[tilespmem:s31+$0xFFFFFC50] =	vst v55  }
0x59: {  	v61 =	vld [tilespmem:s28+$0xFFFFFFC0];
	[tilespmem:s31+$0xFFFFFC60] =	vst v56  }
0x5a: {  	s0 =	sadd.s32 s0, s22;
	v62 =	vld [tilespmem:s28+$0x410];
	[tilespmem:s31+$0x0] =	vst v57  }
0x5b: {  	v63 =	vld [tilespmem:s28+$0x420];
	s26 =	sadd.s32 $0x1, s26;
	s0 =	sadd.s32 s30, s0;
	[tilespmem:s31+$0x10] =	vst v58  }
0x5c: {  	p1 =	sne.s32 s26, $0x8;
	v0 =	vld.idx.msk [tilespmem:v0+s0+$0x400 ss:$0x1], $0xffff;
	[tilespmem:s31+$0x20] =	vst v59  }
.Ltmp4:
0x5d: {  	[tilespmem:s31+$0x30] =	vst v60;
	(pc) =	sbr.rel @p1 .LBB1_3-.Ltmp4, $4  }
0x5e: {  	[tilespmem:s31+$0xFFFFFBF0] =	vst v61  }
0x5f: {  	[tilespmem:s31+$0x40] =	vst v62  }
0x60: {  	s27 =	sadd.s32 $0x800, s27;
	s20 =	sadd.s32 $0x800, s20;
	[tilespmem:s31+$0x50] =	vst v63  }
0x61: {  	s25 =	sadd.s32 $0x80, s25;
	p0 =	por !p0, !p0;
	s21 =	sadd.s32 $0x80, s21;
	[tilespmem:s27+$0x0] =	vst v0  }
0x62: {  	s0 =	sand.u32 $0x78, s15  }
0x63: {  	s20 =	sshll.u32 s18, $0x9;
	s21 =	sshll.u32 s15, $0x3;
	s27 =	sshll.u32 s18, $0x7  }
0x64: {  	s17 =	sshll.u32 s17, $0x12;
	s16 =	sshll.u32 s16, $0xF;
	s30 =	sand.u32 $0x7, s15  }
0x65: {  	s20 =	sand.u32 $0x3F000, s20;
	s21 =	sand.u32 $0x3FC00, s21;
	s28 =	sand.u32 $0x200, s27  }
0x66: {  	s18 =	sand.u32 $0x180, s27;
	s17 =	sadd.s32 s1, s17;
	s20 =	sadd.s32 s20, s21  }
.Ltmp5:
0x67: {  	s0 =	sor.u32 s18, s0;
	s20 =	sor.u32 s28, s20;
	(pc) =	sbr.rel .LBB1_7-.Ltmp5, $4  }
0x68: {  	s16 =	sadd.s32 s16, s17;
	s0 =	sshrl.u32 s0, $0x3;
	s29 =	sshrl.u32 s20, $0x3  }
0x69: {  	s15 =	sshll.u32 s30, $0x12;
	s0 =	sadd.s32 s0, s16;
	s31 =	sand.u32 $0x7FC0, s29  }
0x6a: {  	s15 =	sor.u32 $0x800, s15;
	s0 =	sadd.s32 s31, s0  }
0x6b: {  	[hbm4b:s0+s15] =	stream.strided.scatter [tilespmem:s19], [sflag:$0x2], $0x4000, s8, s15, $0x38;
	[tilespmem:$0x10000] =	vst v63  }
.LBB1_8:
0x6c: {  	_ =	sfence.sel $0x180000  }
0x6d: {  	s0 =	simm.s32 $0x1;
	[bflag:$0x0] =	sbarrier.arrive $0xFFFF  }
0x6e: {  	s31 =	simm.s32 $0x2;
	[sflag:s0] =	ssyncpa.u1 $0x1  }
0x6f: {  	[sflag:s31] =	ssyncpa.u1 $0x1  }
0x70: {  	_ =	strace $0x9000004A  }
0x71: {  	[bflag:$0x2] =	sbarrier.arrive $0xFFFF  }
0x72: {  	p0 =	sne.s32 s3, $0x0;
	s0 =	rddreg [dreg:$0x2]  }
0x73: {  	s0 =	sadd.s32 @!p0 $0x100000, s0  }
0x74: {  	[sflag:s0] =	ssyncadd.tile.s32 @!p0 $0x1;
	_ =	shalt  }
.Lfunc_end1:
_tile_overlayer_lowered:
.L_overlay_start_2:
0x75: {  	(tag) =	ssettag $0x2  }
0x76: {  	s0 =	rddreg [dreg:$0x0];
	s2 =	stileid.u32  }
0x77: {  	s1 =	rddreg [dreg:$0x1];
	p0 =	sne.s32 s2, $0x0  }
0x78: {  	s3 =	rddreg [dreg:$0x2];
	[bflag:$0x3] =	sbarrier.arrive $0xFFFF;
	s2 =	simm.s32 @!p0 $0x1C01  }
0x79: {  	[timem:s3], [sflag:s2] =	dma.local @!p0 [hbm:s0], s1  }
0x7a: {  	s0 =	simm.s32 @!p0 $0x1  }
0x7b: {  	_ =	swait.ge @!p0 [sflag:s0], s1  }
0x7c: {  	s1 =	ssub.s32 @!p0 $0x0, s1;
	[sflag:s0] =	ssyncset.done @!p0 $0x0  }
0x7d: {  	[sflag:s0] =	ssyncadd.s32 @!p0 s1  }
0x7e: {  	[bflag:$0x3] =	sbarrier.arrive $0xFFFF  }
0x7f: {  	_ =	shalt  }

</sc_bundles>
